<compile_context>
chip_gen: v7x
topology: tpu7x:2x2x1
jax: 0.10.2.dev20260603
libtpu: 0.0.44.dev20260713+nightly
codegen_flags: <defaults>
</compile_context>

<pallas_src>
import dataclasses
import functools

import jax
import jax.numpy as jnp
from jax import lax
from jax.experimental import pallas as pl
from jax.experimental.pallas import tpu as pltpu
from jax.experimental.pallas import tpu_sc as plsc

NUM_DIM = 128
LANES = 16
GROWS = 2


def _make_sc_kernel():
    mesh = plsc.VectorSubcoreMesh(core_axis_name="c", subcore_axis_name="s",
                                  num_cores=1, num_subcores=1)
    cp = pltpu.CompilerParams()
    if "needs_layout_passes" in pltpu.CompilerParams.__dataclass_fields__:
        cp = dataclasses.replace(cp, needs_layout_passes=False)
    if "skip_device_barrier" in pltpu.CompilerParams.__dataclass_fields__:
        cp = dataclasses.replace(cp, skip_device_barrier=True)

    @functools.partial(
        pl.kernel,
        out_type=jax.ShapeDtypeStruct((LANES,), jnp.float32),
        mesh=mesh,
        compiler_params=cp,
        scratch_types=[
            pltpu.VMEM((2, GROWS), jnp.int32),
        ] + [pltpu.VMEM((GROWS, NUM_DIM), jnp.float32) for _ in range(8)] + [
            pltpu.VMEM((LANES,), jnp.float32),
            pltpu.SemaphoreType.DMA,
        ],
    )
    def score(Er_W, Er_b, Ei_W, Ei_b, Rr_W, Rr_b, Ri_W, Ri_b, idx, out,
              idx_v, bEW, bEb, bIW, bIb, bRrW, bRrb, bRiW, bRib,
              out_v, sem):
        pltpu.sync_copy(idx, idx_v)
        tables = (Er_W, Er_b, Ei_W, Ei_b, Rr_W, Rr_b, Ri_W, Ri_b)
        bufs = (bEW, bEb, bIW, bIb, bRrW, bRrb, bRiW, bRib)
        rows = (0, 0, 0, 0, 1, 1, 1, 1)
        copies = [
            pltpu.async_copy(tbl.at[idx_v.at[row]], buf, sem)
            for tbl, buf, row in zip(tables, bufs, rows)
        ]
        for c in copies:
            c.wait()

        acc = jnp.zeros((LANES,), jnp.float32)
        for j in range(NUM_DIM // LANES):
            s = pl.ds(j * LANES, LANES)
            exr = bEW[0, s] + bEb[0, s]
            eyr = bEW[1, s] + bEb[1, s]
            exi = bIW[0, s] + bIb[0, s]
            eyi = bIW[1, s] + bIb[1, s]
            rr = bRrW[0, s] + bRrb[0, s]
            ri = bRiW[0, s] + bRib[0, s]
            acc = acc + rr * (exr * eyr + exi * eyi) + ri * (exr * eyi - exi * eyr)

        mean = jnp.sum(acc) * (1.0 / NUM_DIM)
        mv = jnp.full((LANES,), mean, jnp.float32)
        out_v[...] = 1.0 / (1.0 + jnp.exp(-mv))
        pltpu.sync_copy(out_v, out)

    return score


_SC_SCORE = _make_sc_kernel()


def kernel(Er_W, Er_b, Ei_W, Ei_b, Rr_W, Rr_b, Ri_W, Ri_b, x, y, r):
    xi = jnp.asarray(x, jnp.int32)
    yi = jnp.asarray(y, jnp.int32)
    ri = jnp.asarray(r, jnp.int32)
    idx = jnp.stack([xi, yi, ri, ri]).reshape(2, GROWS)
    out = _SC_SCORE(Er_W, Er_b, Ei_W, Ei_b, Rr_W, Rr_b, Ri_W, Ri_b, idx)
    return out[0]

# --- scband reference (transcript-rebuilt; emitter-appended) ---
"""Pipeline reference for scband-compl-ex-1692217115544 (READ-ONLY COPY).

The authoritative reference and input builder live on the scoring server;
editing this copy changes nothing except your own understanding.
"""

import jax, jax.numpy as jnp
import numpy as np

NUM_DIM = 128
NUM_ENTITIES = 1000
NUM_RELATIONS = 100


def setup_inputs(seed: int = 0) -> dict:
    key = jax.random.key(seed)
    ks = jax.random.split(key, 8)
    # torch nn.Linear(1, num_dim): weight (num_dim,1), bias (num_dim,), both init U(-1,1)
    # since in_features=1. Applying to ones(1,1) gives emb = W[:,0] + b.
    # We store per-entity/relation weight and bias tables of shape (N, num_dim).
    # NOTE: the original torch code (faithfully) sizes the relation tables with
    # num_entities rows, so we replicate that.
    def tbl(k):
        return jax.random.uniform(k, (NUM_ENTITIES, NUM_DIM), minval=-1.0, maxval=1.0, dtype=jnp.float32)
    return {
        "Er_W": tbl(ks[0]), "Er_b": tbl(ks[1]),
        "Ei_W": tbl(ks[2]), "Ei_b": tbl(ks[3]),
        "Rr_W": tbl(ks[4]), "Rr_b": tbl(ks[5]),
        "Ri_W": tbl(ks[6]), "Ri_b": tbl(ks[7]),
        "x": 347, "y": 812, "r": 57,
    }


def reference(Er_W, Er_b, Ei_W, Ei_b, Rr_W, Rr_b, Ri_W, Ri_b, x, y, r):
    # emb(i) = Linear_i(ones(1,1)) = W_i * 1 + b_i  -> gather row i from W and b tables
    ex_r = jnp.take(Er_W, x, axis=0) + jnp.take(Er_b, x, axis=0)
    ey_r = jnp.take(Er_W, y, axis=0) + jnp.take(Er_b, y, axis=0)
    ex_i = jnp.take(Ei_W, x, axis=0) + jnp.take(Ei_b, x, axis=0)
    ey_i = jnp.take(Ei_W, y, axis=0) + jnp.take(Ei_b, y, axis=0)
    rr = jnp.take(Rr_W, r, axis=0) + jnp.take(Rr_b, r, axis=0)
    ri = jnp.take(Ri_W, r, axis=0) + jnp.take(Ri_b, r, axis=0)
    term_1 = jnp.mean(rr * ex_r * ey_r)
    term_2 = jnp.mean(rr * ex_i * ey_i)
    term_3 = jnp.mean(ri * ex_r * ey_i)
    term_4 = jnp.mean(ri * ex_i * ey_r)
    result = term_1 + term_2 + term_3 - term_4
    return jax.nn.sigmoid(result)

if __name__ == "__main__":
    import jax
    _d = setup_inputs()
    print(jax.jit(kernel)(*tuple(_d.values())))

</pallas_src>

<mosaic_0001>
#map = affine_map<(d0, d1) -> (0, 0)>
#map1 = affine_map<(d0, d1) -> (0)>
module attributes {stable_mosaic.version = 14 : i64} {
  func.func @score(%arg0: i32, %arg1: i32, %arg2: memref<1000x128xf32, #tpu.memory_space<hbm>>, %arg3: memref<1000x128xf32, #tpu.memory_space<hbm>>, %arg4: memref<1000x128xf32, #tpu.memory_space<hbm>>, %arg5: memref<1000x128xf32, #tpu.memory_space<hbm>>, %arg6: memref<1000x128xf32, #tpu.memory_space<hbm>>, %arg7: memref<1000x128xf32, #tpu.memory_space<hbm>>, %arg8: memref<1000x128xf32, #tpu.memory_space<hbm>>, %arg9: memref<1000x128xf32, #tpu.memory_space<hbm>>, %arg10: memref<2x2xi32, #tpu.memory_space<hbm>>, %arg11: memref<16xf32, #tpu.memory_space<hbm>>, %arg12: memref<2x2xi32, #tpu.memory_space<vmem>>, %arg13: memref<2x128xf32, #tpu.memory_space<vmem>>, %arg14: memref<2x128xf32, #tpu.memory_space<vmem>>, %arg15: memref<2x128xf32, #tpu.memory_space<vmem>>, %arg16: memref<2x128xf32, #tpu.memory_space<vmem>>, %arg17: memref<2x128xf32, #tpu.memory_space<vmem>>, %arg18: memref<2x128xf32, #tpu.memory_space<vmem>>, %arg19: memref<2x128xf32, #tpu.memory_space<vmem>>, %arg20: memref<2x128xf32, #tpu.memory_space<vmem>>, %arg21: memref<16xf32, #tpu.memory_space<vmem>>, %arg22: memref<!tpu.dma_semaphore, #tpu.memory_space<semaphore_mem>>) attributes {dimension_semantics = [#tpu.dimension_semantics<core_parallel>, #tpu.dimension_semantics<subcore_parallel>], iteration_bounds = array<i64: 1, 1>, scalar_prefetch = 0 : i64, scratch_operands = 11 : i64, tpu.core_type = #tpu.core_type<sc_vector_subcore>, window_params = [{transform_indices = #map}, {transform_indices = #map}, {transform_indices = #map}, {transform_indices = #map}, {transform_indices = #map}, {transform_indices = #map}, {transform_indices = #map}, {transform_indices = #map}, {transform_indices = #map}, {transform_indices = #map1}]} {
    "tpu.region"() ({
      %run_scoped3A = tpu.sem_alloc : memref<!tpu.dma_semaphore, #tpu.memory_space<semaphore_mem>>
      tpu.enqueue_dma source(%arg10 : memref<2x2xi32, #tpu.memory_space<hbm>>) target(%arg12 : memref<2x2xi32, #tpu.memory_space<vmem>>) target_semaphore(%run_scoped3A : memref<!tpu.dma_semaphore, #tpu.memory_space<semaphore_mem>>)
      tpu.wait_dma2 semaphore(%run_scoped3A : memref<!tpu.dma_semaphore, #tpu.memory_space<semaphore_mem>>) src(%arg10 : memref<2x2xi32, #tpu.memory_space<hbm>>) dst(%arg12 : memref<2x2xi32, #tpu.memory_space<vmem>>)
      tpu.yield
    }) : () -> ()
    %dma_start3A = arith.constant 0 : i32
    %dma_start3A_0 = arith.constant 0 : i32
    %dma_start3A_1 = tpu.memref_slice %arg12[%dma_start3A, %dma_start3A_0] : memref<2x2xi32, #tpu.memory_space<vmem>> -> memref<1x2xi32, #tpu.memory_space<vmem>>
    %dma_start3A_2 = tpu.memref_squeeze %dma_start3A_1 : memref<1x2xi32, #tpu.memory_space<vmem>> -> memref<2xi32, #tpu.memory_space<vmem>>
    %dma_start3A_3 = arith.constant 0 : i32
    %dma_start3A_4 = arith.constant 0 : i32
    %dma_start3A_5 = tpu.memref_slice %arg2[%dma_start3A_3, %dma_start3A_4] : memref<1000x128xf32, #tpu.memory_space<hbm>> -> memref<1000x128xf32, #tpu.memory_space<hbm>>
    tpu.enqueue_indirect_dma source(%dma_start3A_5 : memref<1000x128xf32, #tpu.memory_space<hbm>>) target(%arg13 : memref<2x128xf32, #tpu.memory_space<vmem>>) offsets(%dma_start3A_2 : memref<2xi32, #tpu.memory_space<vmem>>) semaphore(%arg22 : memref<!tpu.dma_semaphore, #tpu.memory_space<semaphore_mem>>)
    %dma_start3A_6 = arith.constant 0 : i32
    %dma_start3A_7 = arith.constant 0 : i32
    %dma_start3A_8 = tpu.memref_slice %arg12[%dma_start3A_6, %dma_start3A_7] : memref<2x2xi32, #tpu.memory_space<vmem>> -> memref<1x2xi32, #tpu.memory_space<vmem>>
    %dma_start3A_9 = tpu.memref_squeeze %dma_start3A_8 : memref<1x2xi32, #tpu.memory_space<vmem>> -> memref<2xi32, #tpu.memory_space<vmem>>
    %dma_start3A_10 = arith.constant 0 : i32
    %dma_start3A_11 = arith.constant 0 : i32
    %dma_start3A_12 = tpu.memref_slice %arg3[%dma_start3A_10, %dma_start3A_11] : memref<1000x128xf32, #tpu.memory_space<hbm>> -> memref<1000x128xf32, #tpu.memory_space<hbm>>
    tpu.enqueue_indirect_dma source(%dma_start3A_12 : memref<1000x128xf32, #tpu.memory_space<hbm>>) target(%arg14 : memref<2x128xf32, #tpu.memory_space<vmem>>) offsets(%dma_start3A_9 : memref<2xi32, #tpu.memory_space<vmem>>) semaphore(%arg22 : memref<!tpu.dma_semaphore, #tpu.memory_space<semaphore_mem>>)
    %dma_start3A_13 = arith.constant 0 : i32
    %dma_start3A_14 = arith.constant 0 : i32
    %dma_start3A_15 = tpu.memref_slice %arg12[%dma_start3A_13, %dma_start3A_14] : memref<2x2xi32, #tpu.memory_space<vmem>> -> memref<1x2xi32, #tpu.memory_space<vmem>>
    %dma_start3A_16 = tpu.memref_squeeze %dma_start3A_15 : memref<1x2xi32, #tpu.memory_space<vmem>> -> memref<2xi32, #tpu.memory_space<vmem>>
    %dma_start3A_17 = arith.constant 0 : i32
    %dma_start3A_18 = arith.constant 0 : i32
    %dma_start3A_19 = tpu.memref_slice %arg4[%dma_start3A_17, %dma_start3A_18] : memref<1000x128xf32, #tpu.memory_space<hbm>> -> memref<1000x128xf32, #tpu.memory_space<hbm>>
    tpu.enqueue_indirect_dma source(%dma_start3A_19 : memref<1000x128xf32, #tpu.memory_space<hbm>>) target(%arg15 : memref<2x128xf32, #tpu.memory_space<vmem>>) offsets(%dma_start3A_16 : memref<2xi32, #tpu.memory_space<vmem>>) semaphore(%arg22 : memref<!tpu.dma_semaphore, #tpu.memory_space<semaphore_mem>>)
    %dma_start3A_20 = arith.constant 0 : i32
    %dma_start3A_21 = arith.constant 0 : i32
    %dma_start3A_22 = tpu.memref_slice %arg12[%dma_start3A_20, %dma_start3A_21] : memref<2x2xi32, #tpu.memory_space<vmem>> -> memref<1x2xi32, #tpu.memory_space<vmem>>
    %dma_start3A_23 = tpu.memref_squeeze %dma_start3A_22 : memref<1x2xi32, #tpu.memory_space<vmem>> -> memref<2xi32, #tpu.memory_space<vmem>>
    %dma_start3A_24 = arith.constant 0 : i32
    %dma_start3A_25 = arith.constant 0 : i32
    %dma_start3A_26 = tpu.memref_slice %arg5[%dma_start3A_24, %dma_start3A_25] : memref<1000x128xf32, #tpu.memory_space<hbm>> -> memref<1000x128xf32, #tpu.memory_space<hbm>>
    tpu.enqueue_indirect_dma source(%dma_start3A_26 : memref<1000x128xf32, #tpu.memory_space<hbm>>) target(%arg16 : memref<2x128xf32, #tpu.memory_space<vmem>>) offsets(%dma_start3A_23 : memref<2xi32, #tpu.memory_space<vmem>>) semaphore(%arg22 : memref<!tpu.dma_semaphore, #tpu.memory_space<semaphore_mem>>)
    %dma_start3A_27 = arith.constant 1 : i32
    %dma_start3A_28 = arith.constant 0 : i32
    %dma_start3A_29 = tpu.memref_slice %arg12[%dma_start3A_27, %dma_start3A_28] : memref<2x2xi32, #tpu.memory_space<vmem>> -> memref<1x2xi32, #tpu.memory_space<vmem>>
    %dma_start3A_30 = tpu.memref_squeeze %dma_start3A_29 : memref<1x2xi32, #tpu.memory_space<vmem>> -> memref<2xi32, #tpu.memory_space<vmem>>
    %dma_start3A_31 = arith.constant 0 : i32
    %dma_start3A_32 = arith.constant 0 : i32
    %dma_start3A_33 = tpu.memref_slice %arg6[%dma_start3A_31, %dma_start3A_32] : memref<1000x128xf32, #tpu.memory_space<hbm>> -> memref<1000x128xf32, #tpu.memory_space<hbm>>
    tpu.enqueue_indirect_dma source(%dma_start3A_33 : memref<1000x128xf32, #tpu.memory_space<hbm>>) target(%arg17 : memref<2x128xf32, #tpu.memory_space<vmem>>) offsets(%dma_start3A_30 : memref<2xi32, #tpu.memory_space<vmem>>) semaphore(%arg22 : memref<!tpu.dma_semaphore, #tpu.memory_space<semaphore_mem>>)
    %dma_start3A_34 = arith.constant 1 : i32
    %dma_start3A_35 = arith.constant 0 : i32
    %dma_start3A_36 = tpu.memref_slice %arg12[%dma_start3A_34, %dma_start3A_35] : memref<2x2xi32, #tpu.memory_space<vmem>> -> memref<1x2xi32, #tpu.memory_space<vmem>>
    %dma_start3A_37 = tpu.memref_squeeze %dma_start3A_36 : memref<1x2xi32, #tpu.memory_space<vmem>> -> memref<2xi32, #tpu.memory_space<vmem>>
    %dma_start3A_38 = arith.constant 0 : i32
    %dma_start3A_39 = arith.constant 0 : i32
    %dma_start3A_40 = tpu.memref_slice %arg7[%dma_start3A_38, %dma_start3A_39] : memref<1000x128xf32, #tpu.memory_space<hbm>> -> memref<1000x128xf32, #tpu.memory_space<hbm>>
    tpu.enqueue_indirect_dma source(%dma_start3A_40 : memref<1000x128xf32, #tpu.memory_space<hbm>>) target(%arg18 : memref<2x128xf32, #tpu.memory_space<vmem>>) offsets(%dma_start3A_37 : memref<2xi32, #tpu.memory_space<vmem>>) semaphore(%arg22 : memref<!tpu.dma_semaphore, #tpu.memory_space<semaphore_mem>>)
    %dma_start3A_41 = arith.constant 1 : i32
    %dma_start3A_42 = arith.constant 0 : i32
    %dma_start3A_43 = tpu.memref_slice %arg12[%dma_start3A_41, %dma_start3A_42] : memref<2x2xi32, #tpu.memory_space<vmem>> -> memref<1x2xi32, #tpu.memory_space<vmem>>
    %dma_start3A_44 = tpu.memref_squeeze %dma_start3A_43 : memref<1x2xi32, #tpu.memory_space<vmem>> -> memref<2xi32, #tpu.memory_space<vmem>>
    %dma_start3A_45 = arith.constant 0 : i32
    %dma_start3A_46 = arith.constant 0 : i32
    %dma_start3A_47 = tpu.memref_slice %arg8[%dma_start3A_45, %dma_start3A_46] : memref<1000x128xf32, #tpu.memory_space<hbm>> -> memref<1000x128xf32, #tpu.memory_space<hbm>>
    tpu.enqueue_indirect_dma source(%dma_start3A_47 : memref<1000x128xf32, #tpu.memory_space<hbm>>) target(%arg19 : memref<2x128xf32, #tpu.memory_space<vmem>>) offsets(%dma_start3A_44 : memref<2xi32, #tpu.memory_space<vmem>>) semaphore(%arg22 : memref<!tpu.dma_semaphore, #tpu.memory_space<semaphore_mem>>)
    %dma_start3A_48 = arith.constant 1 : i32
    %dma_start3A_49 = arith.constant 0 : i32
    %dma_start3A_50 = tpu.memref_slice %arg12[%dma_start3A_48, %dma_start3A_49] : memref<2x2xi32, #tpu.memory_space<vmem>> -> memref<1x2xi32, #tpu.memory_space<vmem>>
    %dma_start3A_51 = tpu.memref_squeeze %dma_start3A_50 : memref<1x2xi32, #tpu.memory_space<vmem>> -> memref<2xi32, #tpu.memory_space<vmem>>
    %dma_start3A_52 = arith.constant 0 : i32
    %dma_start3A_53 = arith.constant 0 : i32
    %dma_start3A_54 = tpu.memref_slice %arg9[%dma_start3A_52, %dma_start3A_53] : memref<1000x128xf32, #tpu.memory_space<hbm>> -> memref<1000x128xf32, #tpu.memory_space<hbm>>
    tpu.enqueue_indirect_dma source(%dma_start3A_54 : memref<1000x128xf32, #tpu.memory_space<hbm>>) target(%arg20 : memref<2x128xf32, #tpu.memory_space<vmem>>) offsets(%dma_start3A_51 : memref<2xi32, #tpu.memory_space<vmem>>) semaphore(%arg22 : memref<!tpu.dma_semaphore, #tpu.memory_space<semaphore_mem>>)
    %dma_wait3A = arith.constant 0 : i32
    %dma_wait3A_55 = arith.constant 0 : i32
    %dma_wait3A_56 = tpu.memref_slice %arg12[%dma_wait3A, %dma_wait3A_55] : memref<2x2xi32, #tpu.memory_space<vmem>> -> memref<1x2xi32, #tpu.memory_space<vmem>>
    %dma_wait3A_57 = tpu.memref_squeeze %dma_wait3A_56 : memref<1x2xi32, #tpu.memory_space<vmem>> -> memref<2xi32, #tpu.memory_space<vmem>>
    %dma_wait3A_58 = arith.constant 0 : i32
    %dma_wait3A_59 = arith.constant 0 : i32
    %dma_wait3A_60 = tpu.memref_slice %arg2[%dma_wait3A_58, %dma_wait3A_59] : memref<1000x128xf32, #tpu.memory_space<hbm>> -> memref<1000x128xf32, #tpu.memory_space<hbm>>
    tpu.wait_indirect_dma semaphore(%arg22 : memref<!tpu.dma_semaphore, #tpu.memory_space<semaphore_mem>>) src(%dma_wait3A_60 : memref<1000x128xf32, #tpu.memory_space<hbm>>) dst(%arg13 : memref<2x128xf32, #tpu.memory_space<vmem>>)
    %dma_wait3A_61 = arith.constant 0 : i32
    %dma_wait3A_62 = arith.constant 0 : i32
    %dma_wait3A_63 = tpu.memref_slice %arg12[%dma_wait3A_61, %dma_wait3A_62] : memref<2x2xi32, #tpu.memory_space<vmem>> -> memref<1x2xi32, #tpu.memory_space<vmem>>
    %dma_wait3A_64 = tpu.memref_squeeze %dma_wait3A_63 : memref<1x2xi32, #tpu.memory_space<vmem>> -> memref<2xi32, #tpu.memory_space<vmem>>
    %dma_wait3A_65 = arith.constant 0 : i32
    %dma_wait3A_66 = arith.constant 0 : i32
    %dma_wait3A_67 = tpu.memref_slice %arg3[%dma_wait3A_65, %dma_wait3A_66] : memref<1000x128xf32, #tpu.memory_space<hbm>> -> memref<1000x128xf32, #tpu.memory_space<hbm>>
    tpu.wait_indirect_dma semaphore(%arg22 : memref<!tpu.dma_semaphore, #tpu.memory_space<semaphore_mem>>) src(%dma_wait3A_67 : memref<1000x128xf32, #tpu.memory_space<hbm>>) dst(%arg14 : memref<2x128xf32, #tpu.memory_space<vmem>>)
    %dma_wait3A_68 = arith.constant 0 : i32
    %dma_wait3A_69 = arith.constant 0 : i32
    %dma_wait3A_70 = tpu.memref_slice %arg12[%dma_wait3A_68, %dma_wait3A_69] : memref<2x2xi32, #tpu.memory_space<vmem>> -> memref<1x2xi32, #tpu.memory_space<vmem>>
    %dma_wait3A_71 = tpu.memref_squeeze %dma_wait3A_70 : memref<1x2xi32, #tpu.memory_space<vmem>> -> memref<2xi32, #tpu.memory_space<vmem>>
    %dma_wait3A_72 = arith.constant 0 : i32
    %dma_wait3A_73 = arith.constant 0 : i32
    %dma_wait3A_74 = tpu.memref_slice %arg4[%dma_wait3A_72, %dma_wait3A_73] : memref<1000x128xf32, #tpu.memory_space<hbm>> -> memref<1000x128xf32, #tpu.memory_space<hbm>>
    tpu.wait_indirect_dma semaphore(%arg22 : memref<!tpu.dma_semaphore, #tpu.memory_space<semaphore_mem>>) src(%dma_wait3A_74 : memref<1000x128xf32, #tpu.memory_space<hbm>>) dst(%arg15 : memref<2x128xf32, #tpu.memory_space<vmem>>)
    %dma_wait3A_75 = arith.constant 0 : i32
    %dma_wait3A_76 = arith.constant 0 : i32
    %dma_wait3A_77 = tpu.memref_slice %arg12[%dma_wait3A_75, %dma_wait3A_76] : memref<2x2xi32, #tpu.memory_space<vmem>> -> memref<1x2xi32, #tpu.memory_space<vmem>>
    %dma_wait3A_78 = tpu.memref_squeeze %dma_wait3A_77 : memref<1x2xi32, #tpu.memory_space<vmem>> -> memref<2xi32, #tpu.memory_space<vmem>>
    %dma_wait3A_79 = arith.constant 0 : i32
    %dma_wait3A_80 = arith.constant 0 : i32
    %dma_wait3A_81 = tpu.memref_slice %arg5[%dma_wait3A_79, %dma_wait3A_80] : memref<1000x128xf32, #tpu.memory_space<hbm>> -> memref<1000x128xf32, #tpu.memory_space<hbm>>
    tpu.wait_indirect_dma semaphore(%arg22 : memref<!tpu.dma_semaphore, #tpu.memory_space<semaphore_mem>>) src(%dma_wait3A_81 : memref<1000x128xf32, #tpu.memory_space<hbm>>) dst(%arg16 : memref<2x128xf32, #tpu.memory_space<vmem>>)
    %dma_wait3A_82 = arith.constant 1 : i32
    %dma_wait3A_83 = arith.constant 0 : i32
    %dma_wait3A_84 = tpu.memref_slice %arg12[%dma_wait3A_82, %dma_wait3A_83] : memref<2x2xi32, #tpu.memory_space<vmem>> -> memref<1x2xi32, #tpu.memory_space<vmem>>
    %dma_wait3A_85 = tpu.memref_squeeze %dma_wait3A_84 : memref<1x2xi32, #tpu.memory_space<vmem>> -> memref<2xi32, #tpu.memory_space<vmem>>
    %dma_wait3A_86 = arith.constant 0 : i32
    %dma_wait3A_87 = arith.constant 0 : i32
    %dma_wait3A_88 = tpu.memref_slice %arg6[%dma_wait3A_86, %dma_wait3A_87] : memref<1000x128xf32, #tpu.memory_space<hbm>> -> memref<1000x128xf32, #tpu.memory_space<hbm>>
    tpu.wait_indirect_dma semaphore(%arg22 : memref<!tpu.dma_semaphore, #tpu.memory_space<semaphore_mem>>) src(%dma_wait3A_88 : memref<1000x128xf32, #tpu.memory_space<hbm>>) dst(%arg17 : memref<2x128xf32, #tpu.memory_space<vmem>>)
    %dma_wait3A_89 = arith.constant 1 : i32
    %dma_wait3A_90 = arith.constant 0 : i32
    %dma_wait3A_91 = tpu.memref_slice %arg12[%dma_wait3A_89, %dma_wait3A_90] : memref<2x2xi32, #tpu.memory_space<vmem>> -> memref<1x2xi32, #tpu.memory_space<vmem>>
    %dma_wait3A_92 = tpu.memref_squeeze %dma_wait3A_91 : memref<1x2xi32, #tpu.memory_space<vmem>> -> memref<2xi32, #tpu.memory_space<vmem>>
    %dma_wait3A_93 = arith.constant 0 : i32
    %dma_wait3A_94 = arith.constant 0 : i32
    %dma_wait3A_95 = tpu.memref_slice %arg7[%dma_wait3A_93, %dma_wait3A_94] : memref<1000x128xf32, #tpu.memory_space<hbm>> -> memref<1000x128xf32, #tpu.memory_space<hbm>>
    tpu.wait_indirect_dma semaphore(%arg22 : memref<!tpu.dma_semaphore, #tpu.memory_space<semaphore_mem>>) src(%dma_wait3A_95 : memref<1000x128xf32, #tpu.memory_space<hbm>>) dst(%arg18 : memref<2x128xf32, #tpu.memory_space<vmem>>)
    %dma_wait3A_96 = arith.constant 1 : i32
    %dma_wait3A_97 = arith.constant 0 : i32
    %dma_wait3A_98 = tpu.memref_slice %arg12[%dma_wait3A_96, %dma_wait3A_97] : memref<2x2xi32, #tpu.memory_space<vmem>> -> memref<1x2xi32, #tpu.memory_space<vmem>>
    %dma_wait3A_99 = tpu.memref_squeeze %dma_wait3A_98 : memref<1x2xi32, #tpu.memory_space<vmem>> -> memref<2xi32, #tpu.memory_space<vmem>>
    %dma_wait3A_100 = arith.constant 0 : i32
    %dma_wait3A_101 = arith.constant 0 : i32
    %dma_wait3A_102 = tpu.memref_slice %arg8[%dma_wait3A_100, %dma_wait3A_101] : memref<1000x128xf32, #tpu.memory_space<hbm>> -> memref<1000x128xf32, #tpu.memory_space<hbm>>
    tpu.wait_indirect_dma semaphore(%arg22 : memref<!tpu.dma_semaphore, #tpu.memory_space<semaphore_mem>>) src(%dma_wait3A_102 : memref<1000x128xf32, #tpu.memory_space<hbm>>) dst(%arg19 : memref<2x128xf32, #tpu.memory_space<vmem>>)
    %dma_wait3A_103 = arith.constant 1 : i32
    %dma_wait3A_104 = arith.constant 0 : i32
    %dma_wait3A_105 = tpu.memref_slice %arg12[%dma_wait3A_103, %dma_wait3A_104] : memref<2x2xi32, #tpu.memory_space<vmem>> -> memref<1x2xi32, #tpu.memory_space<vmem>>
    %dma_wait3A_106 = tpu.memref_squeeze %dma_wait3A_105 : memref<1x2xi32, #tpu.memory_space<vmem>> -> memref<2xi32, #tpu.memory_space<vmem>>
    %dma_wait3A_107 = arith.constant 0 : i32
    %dma_wait3A_108 = arith.constant 0 : i32
    %dma_wait3A_109 = tpu.memref_slice %arg9[%dma_wait3A_107, %dma_wait3A_108] : memref<1000x128xf32, #tpu.memory_space<hbm>> -> memref<1000x128xf32, #tpu.memory_space<hbm>>
    tpu.wait_indirect_dma semaphore(%arg22 : memref<!tpu.dma_semaphore, #tpu.memory_space<semaphore_mem>>) src(%dma_wait3A_109 : memref<1000x128xf32, #tpu.memory_space<hbm>>) dst(%arg20 : memref<2x128xf32, #tpu.memory_space<vmem>>)
    %broadcast_in_dim3A = arith.constant 0.000000e+00 : f32
    %broadcast_in_dim3A_110 = vector.broadcast %broadcast_in_dim3A : f32 to vector<16xf32>
    %get3A = arith.constant 0 : i32
    %get3A_111 = arith.index_cast %get3A : i32 to index
    %get3A_112 = arith.constant 0 : index
    %get3A_113 = tpu.vector_load %arg13[%get3A_111, %get3A_112] {strides = array<i32>} : memref<2x128xf32, #tpu.memory_space<vmem>>, vector<16xf32>,
    %get3A_114 = arith.constant 0 : i32
    %get3A_115 = arith.index_cast %get3A_114 : i32 to index
    %get3A_116 = arith.constant 0 : index
    %get3A_117 = tpu.vector_load %arg14[%get3A_115, %get3A_116] {strides = array<i32>} : memref<2x128xf32, #tpu.memory_space<vmem>>, vector<16xf32>,
    %add3A = arith.addf %get3A_113, %get3A_117 : vector<16xf32>
    %get3A_118 = arith.constant 1 : i32
    %get3A_119 = arith.index_cast %get3A_118 : i32 to index
    %get3A_120 = arith.constant 0 : index
    %get3A_121 = tpu.vector_load %arg13[%get3A_119, %get3A_120] {strides = array<i32>} : memref<2x128xf32, #tpu.memory_space<vmem>>, vector<16xf32>,
    %get3A_122 = arith.constant 1 : i32
    %get3A_123 = arith.index_cast %get3A_122 : i32 to index
    %get3A_124 = arith.constant 0 : index
    %get3A_125 = tpu.vector_load %arg14[%get3A_123, %get3A_124] {strides = array<i32>} : memref<2x128xf32, #tpu.memory_space<vmem>>, vector<16xf32>,
    %add3A_126 = arith.addf %get3A_121, %get3A_125 : vector<16xf32>
    %get3A_127 = arith.constant 0 : i32
    %get3A_128 = arith.index_cast %get3A_127 : i32 to index
    %get3A_129 = arith.constant 0 : index
    %get3A_130 = tpu.vector_load %arg15[%get3A_128, %get3A_129] {strides = array<i32>} : memref<2x128xf32, #tpu.memory_space<vmem>>, vector<16xf32>,
    %get3A_131 = arith.constant 0 : i32
    %get3A_132 = arith.index_cast %get3A_131 : i32 to index
    %get3A_133 = arith.constant 0 : index
    %get3A_134 = tpu.vector_load %arg16[%get3A_132, %get3A_133] {strides = array<i32>} : memref<2x128xf32, #tpu.memory_space<vmem>>, vector<16xf32>,
    %add3A_135 = arith.addf %get3A_130, %get3A_134 : vector<16xf32>
    %get3A_136 = arith.constant 1 : i32
    %get3A_137 = arith.index_cast %get3A_136 : i32 to index
    %get3A_138 = arith.constant 0 : index
    %get3A_139 = tpu.vector_load %arg15[%get3A_137, %get3A_138] {strides = array<i32>} : memref<2x128xf32, #tpu.memory_space<vmem>>, vector<16xf32>,
    %get3A_140 = arith.constant 1 : i32
    %get3A_141 = arith.index_cast %get3A_140 : i32 to index
    %get3A_142 = arith.constant 0 : index
    %get3A_143 = tpu.vector_load %arg16[%get3A_141, %get3A_142] {strides = array<i32>} : memref<2x128xf32, #tpu.memory_space<vmem>>, vector<16xf32>,
    %add3A_144 = arith.addf %get3A_139, %get3A_143 : vector<16xf32>
    %get3A_145 = arith.constant 0 : i32
    %get3A_146 = arith.index_cast %get3A_145 : i32 to index
    %get3A_147 = arith.constant 0 : index
    %get3A_148 = tpu.vector_load %arg17[%get3A_146, %get3A_147] {strides = array<i32>} : memref<2x128xf32, #tpu.memory_space<vmem>>, vector<16xf32>,
    %get3A_149 = arith.constant 0 : i32
    %get3A_150 = arith.index_cast %get3A_149 : i32 to index
    %get3A_151 = arith.constant 0 : index
    %get3A_152 = tpu.vector_load %arg18[%get3A_150, %get3A_151] {strides = array<i32>} : memref<2x128xf32, #tpu.memory_space<vmem>>, vector<16xf32>,
    %add3A_153 = arith.addf %get3A_148, %get3A_152 : vector<16xf32>
    %get3A_154 = arith.constant 0 : i32
    %get3A_155 = arith.index_cast %get3A_154 : i32 to index
    %get3A_156 = arith.constant 0 : index
    %get3A_157 = tpu.vector_load %arg19[%get3A_155, %get3A_156] {strides = array<i32>} : memref<2x128xf32, #tpu.memory_space<vmem>>, vector<16xf32>,
    %get3A_158 = arith.constant 0 : i32
    %get3A_159 = arith.index_cast %get3A_158 : i32 to index
    %get3A_160 = arith.constant 0 : index
    %get3A_161 = tpu.vector_load %arg20[%get3A_159, %get3A_160] {strides = array<i32>} : memref<2x128xf32, #tpu.memory_space<vmem>>, vector<16xf32>,
    %add3A_162 = arith.addf %get3A_157, %get3A_161 : vector<16xf32>
    %mul3A = arith.mulf %add3A, %add3A_126 : vector<16xf32>
    %mul3A_163 = arith.mulf %add3A_135, %add3A_144 : vector<16xf32>
    %add3A_164 = arith.addf %mul3A, %mul3A_163 : vector<16xf32>
    %mul3A_165 = arith.mulf %add3A_153, %add3A_164 : vector<16xf32>
    %add3A_166 = arith.addf %broadcast_in_dim3A_110, %mul3A_165 : vector<16xf32>
    %mul3A_167 = arith.mulf %add3A, %add3A_144 : vector<16xf32>
    %mul3A_168 = arith.mulf %add3A_135, %add3A_126 : vector<16xf32>
    %sub3A = arith.subf %mul3A_167, %mul3A_168 : vector<16xf32>
    %mul3A_169 = arith.mulf %add3A_162, %sub3A : vector<16xf32>
    %add3A_170 = arith.addf %add3A_166, %mul3A_169 : vector<16xf32>
    %get3A_171 = arith.constant 0 : i32
    %get3A_172 = arith.index_cast %get3A_171 : i32 to index
    %get3A_173 = arith.constant 16 : index
    %get3A_174 = tpu.vector_load %arg13[%get3A_172, %get3A_173] {strides = array<i32>} : memref<2x128xf32, #tpu.memory_space<vmem>>, vector<16xf32>,
    %get3A_175 = arith.constant 0 : i32
    %get3A_176 = arith.index_cast %get3A_175 : i32 to index
    %get3A_177 = arith.constant 16 : index
    %get3A_178 = tpu.vector_load %arg14[%get3A_176, %get3A_177] {strides = array<i32>} : memref<2x128xf32, #tpu.memory_space<vmem>>, vector<16xf32>,
    %add3A_179 = arith.addf %get3A_174, %get3A_178 : vector<16xf32>
    %get3A_180 = arith.constant 1 : i32
    %get3A_181 = arith.index_cast %get3A_180 : i32 to index
    %get3A_182 = arith.constant 16 : index
    %get3A_183 = tpu.vector_load %arg13[%get3A_181, %get3A_182] {strides = array<i32>} : memref<2x128xf32, #tpu.memory_space<vmem>>, vector<16xf32>,
    %get3A_184 = arith.constant 1 : i32
    %get3A_185 = arith.index_cast %get3A_184 : i32 to index
    %get3A_186 = arith.constant 16 : index
    %get3A_187 = tpu.vector_load %arg14[%get3A_185, %get3A_186] {strides = array<i32>} : memref<2x128xf32, #tpu.memory_space<vmem>>, vector<16xf32>,
    %add3A_188 = arith.addf %get3A_183, %get3A_187 : vector<16xf32>
    %get3A_189 = arith.constant 0 : i32
    %get3A_190 = arith.index_cast %get3A_189 : i32 to index
    %get3A_191 = arith.constant 16 : index
    %get3A_192 = tpu.vector_load %arg15[%get3A_190, %get3A_191] {strides = array<i32>} : memref<2x128xf32, #tpu.memory_space<vmem>>, vector<16xf32>,
    %get3A_193 = arith.constant 0 : i32
    %get3A_194 = arith.index_cast %get3A_193 : i32 to index
    %get3A_195 = arith.constant 16 : index
    %get3A_196 = tpu.vector_load %arg16[%get3A_194, %get3A_195] {strides = array<i32>} : memref<2x128xf32, #tpu.memory_space<vmem>>, vector<16xf32>,
    %add3A_197 = arith.addf %get3A_192, %get3A_196 : vector<16xf32>
    %get3A_198 = arith.constant 1 : i32
    %get3A_199 = arith.index_cast %get3A_198 : i32 to index
    %get3A_200 = arith.constant 16 : index
    %get3A_201 = tpu.vector_load %arg15[%get3A_199, %get3A_200] {strides = array<i32>} : memref<2x128xf32, #tpu.memory_space<vmem>>, vector<16xf32>,
    %get3A_202 = arith.constant 1 : i32
    %get3A_203 = arith.index_cast %get3A_202 : i32 to index
    %get3A_204 = arith.constant 16 : index
    %get3A_205 = tpu.vector_load %arg16[%get3A_203, %get3A_204] {strides = array<i32>} : memref<2x128xf32, #tpu.memory_space<vmem>>, vector<16xf32>,
    %add3A_206 = arith.addf %get3A_201, %get3A_205 : vector<16xf32>
    %get3A_207 = arith.constant 0 : i32
    %get3A_208 = arith.index_cast %get3A_207 : i32 to index
    %get3A_209 = arith.constant 16 : index
    %get3A_210 = tpu.vector_load %arg17[%get3A_208, %get3A_209] {strides = array<i32>} : memref<2x128xf32, #tpu.memory_space<vmem>>, vector<16xf32>,
    %get3A_211 = arith.constant 0 : i32
    %get3A_212 = arith.index_cast %get3A_211 : i32 to index
    %get3A_213 = arith.constant 16 : index
    %get3A_214 = tpu.vector_load %arg18[%get3A_212, %get3A_213] {strides = array<i32>} : memref<2x128xf32, #tpu.memory_space<vmem>>, vector<16xf32>,
    %add3A_215 = arith.addf %get3A_210, %get3A_214 : vector<16xf32>
    %get3A_216 = arith.constant 0 : i32
    %get3A_217 = arith.index_cast %get3A_216 : i32 to index
    %get3A_218 = arith.constant 16 : index
    %get3A_219 = tpu.vector_load %arg19[%get3A_217, %get3A_218] {strides = array<i32>} : memref<2x128xf32, #tpu.memory_space<vmem>>, vector<16xf32>,
    %get3A_220 = arith.constant 0 : i32
    %get3A_221 = arith.index_cast %get3A_220 : i32 to index
    %get3A_222 = arith.constant 16 : index
    %get3A_223 = tpu.vector_load %arg20[%get3A_221, %get3A_222] {strides = array<i32>} : memref<2x128xf32, #tpu.memory_space<vmem>>, vector<16xf32>,
    %add3A_224 = arith.addf %get3A_219, %get3A_223 : vector<16xf32>
    %mul3A_225 = arith.mulf %add3A_179, %add3A_188 : vector<16xf32>
    %mul3A_226 = arith.mulf %add3A_197, %add3A_206 : vector<16xf32>
    %add3A_227 = arith.addf %mul3A_225, %mul3A_226 : vector<16xf32>
    %mul3A_228 = arith.mulf %add3A_215, %add3A_227 : vector<16xf32>
    %add3A_229 = arith.addf %add3A_170, %mul3A_228 : vector<16xf32>
    %mul3A_230 = arith.mulf %add3A_179, %add3A_206 : vector<16xf32>
    %mul3A_231 = arith.mulf %add3A_197, %add3A_188 : vector<16xf32>
    %sub3A_232 = arith.subf %mul3A_230, %mul3A_231 : vector<16xf32>
    %mul3A_233 = arith.mulf %add3A_224, %sub3A_232 : vector<16xf32>
    %add3A_234 = arith.addf %add3A_229, %mul3A_233 : vector<16xf32>
    %get3A_235 = arith.constant 0 : i32
    %get3A_236 = arith.index_cast %get3A_235 : i32 to index
    %get3A_237 = arith.constant 32 : index
    %get3A_238 = tpu.vector_load %arg13[%get3A_236, %get3A_237] {strides = array<i32>} : memref<2x128xf32, #tpu.memory_space<vmem>>, vector<16xf32>,
    %get3A_239 = arith.constant 0 : i32
    %get3A_240 = arith.index_cast %get3A_239 : i32 to index
    %get3A_241 = arith.constant 32 : index
    %get3A_242 = tpu.vector_load %arg14[%get3A_240, %get3A_241] {strides = array<i32>} : memref<2x128xf32, #tpu.memory_space<vmem>>, vector<16xf32>,
    %add3A_243 = arith.addf %get3A_238, %get3A_242 : vector<16xf32>
    %get3A_244 = arith.constant 1 : i32
    %get3A_245 = arith.index_cast %get3A_244 : i32 to index
    %get3A_246 = arith.constant 32 : index
    %get3A_247 = tpu.vector_load %arg13[%get3A_245, %get3A_246] {strides = array<i32>} : memref<2x128xf32, #tpu.memory_space<vmem>>, vector<16xf32>,
    %get3A_248 = arith.constant 1 : i32
    %get3A_249 = arith.index_cast %get3A_248 : i32 to index
    %get3A_250 = arith.constant 32 : index
    %get3A_251 = tpu.vector_load %arg14[%get3A_249, %get3A_250] {strides = array<i32>} : memref<2x128xf32, #tpu.memory_space<vmem>>, vector<16xf32>,
    %add3A_252 = arith.addf %get3A_247, %get3A_251 : vector<16xf32>
    %get3A_253 = arith.constant 0 : i32
    %get3A_254 = arith.index_cast %get3A_253 : i32 to index
    %get3A_255 = arith.constant 32 : index
    %get3A_256 = tpu.vector_load %arg15[%get3A_254, %get3A_255] {strides = array<i32>} : memref<2x128xf32, #tpu.memory_space<vmem>>, vector<16xf32>,
    %get3A_257 = arith.constant 0 : i32
    %get3A_258 = arith.index_cast %get3A_257 : i32 to index
    %get3A_259 = arith.constant 32 : index
    %get3A_260 = tpu.vector_load %arg16[%get3A_258, %get3A_259] {strides = array<i32>} : memref<2x128xf32, #tpu.memory_space<vmem>>, vector<16xf32>,
    %add3A_261 = arith.addf %get3A_256, %get3A_260 : vector<16xf32>
    %get3A_262 = arith.constant 1 : i32
    %get3A_263 = arith.index_cast %get3A_262 : i32 to index
    %get3A_264 = arith.constant 32 : index
    %get3A_265 = tpu.vector_load %arg15[%get3A_263, %get3A_264] {strides = array<i32>} : memref<2x128xf32, #tpu.memory_space<vmem>>, vector<16xf32>,
    %get3A_266 = arith.constant 1 : i32
    %get3A_267 = arith.index_cast %get3A_266 : i32 to index
    %get3A_268 = arith.constant 32 : index
    %get3A_269 = tpu.vector_load %arg16[%get3A_267, %get3A_268] {strides = array<i32>} : memref<2x128xf32, #tpu.memory_space<vmem>>, vector<16xf32>,
    %add3A_270 = arith.addf %get3A_265, %get3A_269 : vector<16xf32>
    %get3A_271 = arith.constant 0 : i32
    %get3A_272 = arith.index_cast %get3A_271 : i32 to index
    %get3A_273 = arith.constant 32 : index
    %get3A_274 = tpu.vector_load %arg17[%get3A_272, %get3A_273] {strides = array<i32>} : memref<2x128xf32, #tpu.memory_space<vmem>>, vector<16xf32>,
    %get3A_275 = arith.constant 0 : i32
    %get3A_276 = arith.index_cast %get3A_275 : i32 to index
    %get3A_277 = arith.constant 32 : index
    %get3A_278 = tpu.vector_load %arg18[%get3A_276, %get3A_277] {strides = array<i32>} : memref<2x128xf32, #tpu.memory_space<vmem>>, vector<16xf32>,
    %add3A_279 = arith.addf %get3A_274, %get3A_278 : vector<16xf32>
    %get3A_280 = arith.constant 0 : i32
    %get3A_281 = arith.index_cast %get3A_280 : i32 to index
    %get3A_282 = arith.constant 32 : index
    %get3A_283 = tpu.vector_load %arg19[%get3A_281, %get3A_282] {strides = array<i32>} : memref<2x128xf32, #tpu.memory_space<vmem>>, vector<16xf32>,
    %get3A_284 = arith.constant 0 : i32
    %get3A_285 = arith.index_cast %get3A_284 : i32 to index
    %get3A_286 = arith.constant 32 : index
    %get3A_287 = tpu.vector_load %arg20[%get3A_285, %get3A_286] {strides = array<i32>} : memref<2x128xf32, #tpu.memory_space<vmem>>, vector<16xf32>,
    %add3A_288 = arith.addf %get3A_283, %get3A_287 : vector<16xf32>
    %mul3A_289 = arith.mulf %add3A_243, %add3A_252 : vector<16xf32>
    %mul3A_290 = arith.mulf %add3A_261, %add3A_270 : vector<16xf32>
    %add3A_291 = arith.addf %mul3A_289, %mul3A_290 : vector<16xf32>
    %mul3A_292 = arith.mulf %add3A_279, %add3A_291 : vector<16xf32>
    %add3A_293 = arith.addf %add3A_234, %mul3A_292 : vector<16xf32>
    %mul3A_294 = arith.mulf %add3A_243, %add3A_270 : vector<16xf32>
    %mul3A_295 = arith.mulf %add3A_261, %add3A_252 : vector<16xf32>
    %sub3A_296 = arith.subf %mul3A_294, %mul3A_295 : vector<16xf32>
    %mul3A_297 = arith.mulf %add3A_288, %sub3A_296 : vector<16xf32>
    %add3A_298 = arith.addf %add3A_293, %mul3A_297 : vector<16xf32>
    %get3A_299 = arith.constant 0 : i32
    %get3A_300 = arith.index_cast %get3A_299 : i32 to index
    %get3A_301 = arith.constant 48 : index
    %get3A_302 = tpu.vector_load %arg13[%get3A_300, %get3A_301] {strides = array<i32>} : memref<2x128xf32, #tpu.memory_space<vmem>>, vector<16xf32>,
    %get3A_303 = arith.constant 0 : i32
    %get3A_304 = arith.index_cast %get3A_303 : i32 to index
    %get3A_305 = arith.constant 48 : index
    %get3A_306 = tpu.vector_load %arg14[%get3A_304, %get3A_305] {strides = array<i32>} : memref<2x128xf32, #tpu.memory_space<vmem>>, vector<16xf32>,
    %add3A_307 = arith.addf %get3A_302, %get3A_306 : vector<16xf32>
    %get3A_308 = arith.constant 1 : i32
    %get3A_309 = arith.index_cast %get3A_308 : i32 to index
    %get3A_310 = arith.constant 48 : index
    %get3A_311 = tpu.vector_load %arg13[%get3A_309, %get3A_310] {strides = array<i32>} : memref<2x128xf32, #tpu.memory_space<vmem>>, vector<16xf32>,
    %get3A_312 = arith.constant 1 : i32
    %get3A_313 = arith.index_cast %get3A_312 : i32 to index
    %get3A_314 = arith.constant 48 : index
    %get3A_315 = tpu.vector_load %arg14[%get3A_313, %get3A_314] {strides = array<i32>} : memref<2x128xf32, #tpu.memory_space<vmem>>, vector<16xf32>,
    %add3A_316 = arith.addf %get3A_311, %get3A_315 : vector<16xf32>
    %get3A_317 = arith.constant 0 : i32
    %get3A_318 = arith.index_cast %get3A_317 : i32 to index
    %get3A_319 = arith.constant 48 : index
    %get3A_320 = tpu.vector_load %arg15[%get3A_318, %get3A_319] {strides = array<i32>} : memref<2x128xf32, #tpu.memory_space<vmem>>, vector<16xf32>,
    %get3A_321 = arith.constant 0 : i32
    %get3A_322 = arith.index_cast %get3A_321 : i32 to index
    %get3A_323 = arith.constant 48 : index
    %get3A_324 = tpu.vector_load %arg16[%get3A_322, %get3A_323] {strides = array<i32>} : memref<2x128xf32, #tpu.memory_space<vmem>>, vector<16xf32>,
    %add3A_325 = arith.addf %get3A_320, %get3A_324 : vector<16xf32>
    %get3A_326 = arith.constant 1 : i32
    %get3A_327 = arith.index_cast %get3A_326 : i32 to index
    %get3A_328 = arith.constant 48 : index
    %get3A_329 = tpu.vector_load %arg15[%get3A_327, %get3A_328] {strides = array<i32>} : memref<2x128xf32, #tpu.memory_space<vmem>>, vector<16xf32>,
    %get3A_330 = arith.constant 1 : i32
    %get3A_331 = arith.index_cast %get3A_330 : i32 to index
    %get3A_332 = arith.constant 48 : index
    %get3A_333 = tpu.vector_load %arg16[%get3A_331, %get3A_332] {strides = array<i32>} : memref<2x128xf32, #tpu.memory_space<vmem>>, vector<16xf32>,
    %add3A_334 = arith.addf %get3A_329, %get3A_333 : vector<16xf32>
    %get3A_335 = arith.constant 0 : i32
    %get3A_336 = arith.index_cast %get3A_335 : i32 to index
    %get3A_337 = arith.constant 48 : index
    %get3A_338 = tpu.vector_load %arg17[%get3A_336, %get3A_337] {strides = array<i32>} : memref<2x128xf32, #tpu.memory_space<vmem>>, vector<16xf32>,
    %get3A_339 = arith.constant 0 : i32
    %get3A_340 = arith.index_cast %get3A_339 : i32 to index
    %get3A_341 = arith.constant 48 : index
    %get3A_342 = tpu.vector_load %arg18[%get3A_340, %get3A_341] {strides = array<i32>} : memref<2x128xf32, #tpu.memory_space<vmem>>, vector<16xf32>,
    %add3A_343 = arith.addf %get3A_338, %get3A_342 : vector<16xf32>
    %get3A_344 = arith.constant 0 : i32
    %get3A_345 = arith.index_cast %get3A_344 : i32 to index
    %get3A_346 = arith.constant 48 : index
    %get3A_347 = tpu.vector_load %arg19[%get3A_345, %get3A_346] {strides = array<i32>} : memref<2x128xf32, #tpu.memory_space<vmem>>, vector<16xf32>,
    %get3A_348 = arith.constant 0 : i32
    %get3A_349 = arith.index_cast %get3A_348 : i32 to index
    %get3A_350 = arith.constant 48 : index
    %get3A_351 = tpu.vector_load %arg20[%get3A_349, %get3A_350] {strides = array<i32>} : memref<2x128xf32, #tpu.memory_space<vmem>>, vector<16xf32>,
    %add3A_352 = arith.addf %get3A_347, %get3A_351 : vector<16xf32>
    %mul3A_353 = arith.mulf %add3A_307, %add3A_316 : vector<16xf32>
    %mul3A_354 = arith.mulf %add3A_325, %add3A_334 : vector<16xf32>
    %add3A_355 = arith.addf %mul3A_353, %mul3A_354 : vector<16xf32>
    %mul3A_356 = arith.mulf %add3A_343, %add3A_355 : vector<16xf32>
    %add3A_357 = arith.addf %add3A_298, %mul3A_356 : vector<16xf32>
    %mul3A_358 = arith.mulf %add3A_307, %add3A_334 : vector<16xf32>
    %mul3A_359 = arith.mulf %add3A_325, %add3A_316 : vector<16xf32>
    %sub3A_360 = arith.subf %mul3A_358, %mul3A_359 : vector<16xf32>
    %mul3A_361 = arith.mulf %add3A_352, %sub3A_360 : vector<16xf32>
    %add3A_362 = arith.addf %add3A_357, %mul3A_361 : vector<16xf32>
    %get3A_363 = arith.constant 0 : i32
    %get3A_364 = arith.index_cast %get3A_363 : i32 to index
    %get3A_365 = arith.constant 64 : index
    %get3A_366 = tpu.vector_load %arg13[%get3A_364, %get3A_365] {strides = array<i32>} : memref<2x128xf32, #tpu.memory_space<vmem>>, vector<16xf32>,
    %get3A_367 = arith.constant 0 : i32
    %get3A_368 = arith.index_cast %get3A_367 : i32 to index
    %get3A_369 = arith.constant 64 : index
    %get3A_370 = tpu.vector_load %arg14[%get3A_368, %get3A_369] {strides = array<i32>} : memref<2x128xf32, #tpu.memory_space<vmem>>, vector<16xf32>,
    %add3A_371 = arith.addf %get3A_366, %get3A_370 : vector<16xf32>
    %get3A_372 = arith.constant 1 : i32
    %get3A_373 = arith.index_cast %get3A_372 : i32 to index
    %get3A_374 = arith.constant 64 : index
    %get3A_375 = tpu.vector_load %arg13[%get3A_373, %get3A_374] {strides = array<i32>} : memref<2x128xf32, #tpu.memory_space<vmem>>, vector<16xf32>,
    %get3A_376 = arith.constant 1 : i32
    %get3A_377 = arith.index_cast %get3A_376 : i32 to index
    %get3A_378 = arith.constant 64 : index
    %get3A_379 = tpu.vector_load %arg14[%get3A_377, %get3A_378] {strides = array<i32>} : memref<2x128xf32, #tpu.memory_space<vmem>>, vector<16xf32>,
    %add3A_380 = arith.addf %get3A_375, %get3A_379 : vector<16xf32>
    %get3A_381 = arith.constant 0 : i32
    %get3A_382 = arith.index_cast %get3A_381 : i32 to index
    %get3A_383 = arith.constant 64 : index
    %get3A_384 = tpu.vector_load %arg15[%get3A_382, %get3A_383] {strides = array<i32>} : memref<2x128xf32, #tpu.memory_space<vmem>>, vector<16xf32>,
    %get3A_385 = arith.constant 0 : i32
    %get3A_386 = arith.index_cast %get3A_385 : i32 to index
    %get3A_387 = arith.constant 64 : index
    %get3A_388 = tpu.vector_load %arg16[%get3A_386, %get3A_387] {strides = array<i32>} : memref<2x128xf32, #tpu.memory_space<vmem>>, vector<16xf32>,
    %add3A_389 = arith.addf %get3A_384, %get3A_388 : vector<16xf32>
    %get3A_390 = arith.constant 1 : i32
    %get3A_391 = arith.index_cast %get3A_390 : i32 to index
    %get3A_392 = arith.constant 64 : index
    %get3A_393 = tpu.vector_load %arg15[%get3A_391, %get3A_392] {strides = array<i32>} : memref<2x128xf32, #tpu.memory_space<vmem>>, vector<16xf32>,
    %get3A_394 = arith.constant 1 : i32
    %get3A_395 = arith.index_cast %get3A_394 : i32 to index
    %get3A_396 = arith.constant 64 : index
    %get3A_397 = tpu.vector_load %arg16[%get3A_395, %get3A_396] {strides = array<i32>} : memref<2x128xf32, #tpu.memory_space<vmem>>, vector<16xf32>,
    %add3A_398 = arith.addf %get3A_393, %get3A_397 : vector<16xf32>
    %get3A_399 = arith.constant 0 : i32
    %get3A_400 = arith.index_cast %get3A_399 : i32 to index
    %get3A_401 = arith.constant 64 : index
    %get3A_402 = tpu.vector_load %arg17[%get3A_400, %get3A_401] {strides = array<i32>} : memref<2x128xf32, #tpu.memory_space<vmem>>, vector<16xf32>,
    %get3A_403 = arith.constant 0 : i32
    %get3A_404 = arith.index_cast %get3A_403 : i32 to index
    %get3A_405 = arith.constant 64 : index
    %get3A_406 = tpu.vector_load %arg18[%get3A_404, %get3A_405] {strides = array<i32>} : memref<2x128xf32, #tpu.memory_space<vmem>>, vector<16xf32>,
    %add3A_407 = arith.addf %get3A_402, %get3A_406 : vector<16xf32>
    %get3A_408 = arith.constant 0 : i32
    %get3A_409 = arith.index_cast %get3A_408 : i32 to index
    %get3A_410 = arith.constant 64 : index
    %get3A_411 = tpu.vector_load %arg19[%get3A_409, %get3A_410] {strides = array<i32>} : memref<2x128xf32, #tpu.memory_space<vmem>>, vector<16xf32>,
    %get3A_412 = arith.constant 0 : i32
    %get3A_413 = arith.index_cast %get3A_412 : i32 to index
    %get3A_414 = arith.constant 64 : index
    %get3A_415 = tpu.vector_load %arg20[%get3A_413, %get3A_414] {strides = array<i32>} : memref<2x128xf32, #tpu.memory_space<vmem>>, vector<16xf32>,
    %add3A_416 = arith.addf %get3A_411, %get3A_415 : vector<16xf32>
    %mul3A_417 = arith.mulf %add3A_371, %add3A_380 : vector<16xf32>
    %mul3A_418 = arith.mulf %add3A_389, %add3A_398 : vector<16xf32>
    %add3A_419 = arith.addf %mul3A_417, %mul3A_418 : vector<16xf32>
    %mul3A_420 = arith.mulf %add3A_407, %add3A_419 : vector<16xf32>
    %add3A_421 = arith.addf %add3A_362, %mul3A_420 : vector<16xf32>
    %mul3A_422 = arith.mulf %add3A_371, %add3A_398 : vector<16xf32>
    %mul3A_423 = arith.mulf %add3A_389, %add3A_380 : vector<16xf32>
    %sub3A_424 = arith.subf %mul3A_422, %mul3A_423 : vector<16xf32>
    %mul3A_425 = arith.mulf %add3A_416, %sub3A_424 : vector<16xf32>
    %add3A_426 = arith.addf %add3A_421, %mul3A_425 : vector<16xf32>
    %get3A_427 = arith.constant 0 : i32
    %get3A_428 = arith.index_cast %get3A_427 : i32 to index
    %get3A_429 = arith.constant 80 : index
    %get3A_430 = tpu.vector_load %arg13[%get3A_428, %get3A_429] {strides = array<i32>} : memref<2x128xf32, #tpu.memory_space<vmem>>, vector<16xf32>,
    %get3A_431 = arith.constant 0 : i32
    %get3A_432 = arith.index_cast %get3A_431 : i32 to index
    %get3A_433 = arith.constant 80 : index
    %get3A_434 = tpu.vector_load %arg14[%get3A_432, %get3A_433] {strides = array<i32>} : memref<2x128xf32, #tpu.memory_space<vmem>>, vector<16xf32>,
    %add3A_435 = arith.addf %get3A_430, %get3A_434 : vector<16xf32>
    %get3A_436 = arith.constant 1 : i32
    %get3A_437 = arith.index_cast %get3A_436 : i32 to index
    %get3A_438 = arith.constant 80 : index
    %get3A_439 = tpu.vector_load %arg13[%get3A_437, %get3A_438] {strides = array<i32>} : memref<2x128xf32, #tpu.memory_space<vmem>>, vector<16xf32>,
    %get3A_440 = arith.constant 1 : i32
    %get3A_441 = arith.index_cast %get3A_440 : i32 to index
    %get3A_442 = arith.constant 80 : index
    %get3A_443 = tpu.vector_load %arg14[%get3A_441, %get3A_442] {strides = array<i32>} : memref<2x128xf32, #tpu.memory_space<vmem>>, vector<16xf32>,
    %add3A_444 = arith.addf %get3A_439, %get3A_443 : vector<16xf32>
    %get3A_445 = arith.constant 0 : i32
    %get3A_446 = arith.index_cast %get3A_445 : i32 to index
    %get3A_447 = arith.constant 80 : index
    %get3A_448 = tpu.vector_load %arg15[%get3A_446, %get3A_447] {strides = array<i32>} : memref<2x128xf32, #tpu.memory_space<vmem>>, vector<16xf32>,
    %get3A_449 = arith.constant 0 : i32
    %get3A_450 = arith.index_cast %get3A_449 : i32 to index
    %get3A_451 = arith.constant 80 : index
    %get3A_452 = tpu.vector_load %arg16[%get3A_450, %get3A_451] {strides = array<i32>} : memref<2x128xf32, #tpu.memory_space<vmem>>, vector<16xf32>,
    %add3A_453 = arith.addf %get3A_448, %get3A_452 : vector<16xf32>
    %get3A_454 = arith.constant 1 : i32
    %get3A_455 = arith.index_cast %get3A_454 : i32 to index
    %get3A_456 = arith.constant 80 : index
    %get3A_457 = tpu.vector_load %arg15[%get3A_455, %get3A_456] {strides = array<i32>} : memref<2x128xf32, #tpu.memory_space<vmem>>, vector<16xf32>,
    %get3A_458 = arith.constant 1 : i32
    %get3A_459 = arith.index_cast %get3A_458 : i32 to index
    %get3A_460 = arith.constant 80 : index
    %get3A_461 = tpu.vector_load %arg16[%get3A_459, %get3A_460] {strides = array<i32>} : memref<2x128xf32, #tpu.memory_space<vmem>>, vector<16xf32>,
    %add3A_462 = arith.addf %get3A_457, %get3A_461 : vector<16xf32>
    %get3A_463 = arith.constant 0 : i32
    %get3A_464 = arith.index_cast %get3A_463 : i32 to index
    %get3A_465 = arith.constant 80 : index
    %get3A_466 = tpu.vector_load %arg17[%get3A_464, %get3A_465] {strides = array<i32>} : memref<2x128xf32, #tpu.memory_space<vmem>>, vector<16xf32>,
    %get3A_467 = arith.constant 0 : i32
    %get3A_468 = arith.index_cast %get3A_467 : i32 to index
    %get3A_469 = arith.constant 80 : index
    %get3A_470 = tpu.vector_load %arg18[%get3A_468, %get3A_469] {strides = array<i32>} : memref<2x128xf32, #tpu.memory_space<vmem>>, vector<16xf32>,
    %add3A_471 = arith.addf %get3A_466, %get3A_470 : vector<16xf32>
    %get3A_472 = arith.constant 0 : i32
    %get3A_473 = arith.index_cast %get3A_472 : i32 to index
    %get3A_474 = arith.constant 80 : index
    %get3A_475 = tpu.vector_load %arg19[%get3A_473, %get3A_474] {strides = array<i32>} : memref<2x128xf32, #tpu.memory_space<vmem>>, vector<16xf32>,
    %get3A_476 = arith.constant 0 : i32
    %get3A_477 = arith.index_cast %get3A_476 : i32 to index
    %get3A_478 = arith.constant 80 : index
    %get3A_479 = tpu.vector_load %arg20[%get3A_477, %get3A_478] {strides = array<i32>} : memref<2x128xf32, #tpu.memory_space<vmem>>, vector<16xf32>,
    %add3A_480 = arith.addf %get3A_475, %get3A_479 : vector<16xf32>
    %mul3A_481 = arith.mulf %add3A_435, %add3A_444 : vector<16xf32>
    %mul3A_482 = arith.mulf %add3A_453, %add3A_462 : vector<16xf32>
    %add3A_483 = arith.addf %mul3A_481, %mul3A_482 : vector<16xf32>
    %mul3A_484 = arith.mulf %add3A_471, %add3A_483 : vector<16xf32>
    %add3A_485 = arith.addf %add3A_426, %mul3A_484 : vector<16xf32>
    %mul3A_486 = arith.mulf %add3A_435, %add3A_462 : vector<16xf32>
    %mul3A_487 = arith.mulf %add3A_453, %add3A_444 : vector<16xf32>
    %sub3A_488 = arith.subf %mul3A_486, %mul3A_487 : vector<16xf32>
    %mul3A_489 = arith.mulf %add3A_480, %sub3A_488 : vector<16xf32>
    %add3A_490 = arith.addf %add3A_485, %mul3A_489 : vector<16xf32>
    %get3A_491 = arith.constant 0 : i32
    %get3A_492 = arith.index_cast %get3A_491 : i32 to index
    %get3A_493 = arith.constant 96 : index
    %get3A_494 = tpu.vector_load %arg13[%get3A_492, %get3A_493] {strides = array<i32>} : memref<2x128xf32, #tpu.memory_space<vmem>>, vector<16xf32>,
    %get3A_495 = arith.constant 0 : i32
    %get3A_496 = arith.index_cast %get3A_495 : i32 to index
    %get3A_497 = arith.constant 96 : index
    %get3A_498 = tpu.vector_load %arg14[%get3A_496, %get3A_497] {strides = array<i32>} : memref<2x128xf32, #tpu.memory_space<vmem>>, vector<16xf32>,
    %add3A_499 = arith.addf %get3A_494, %get3A_498 : vector<16xf32>
    %get3A_500 = arith.constant 1 : i32
    %get3A_501 = arith.index_cast %get3A_500 : i32 to index
    %get3A_502 = arith.constant 96 : index
    %get3A_503 = tpu.vector_load %arg13[%get3A_501, %get3A_502] {strides = array<i32>} : memref<2x128xf32, #tpu.memory_space<vmem>>, vector<16xf32>,
    %get3A_504 = arith.constant 1 : i32
    %get3A_505 = arith.index_cast %get3A_504 : i32 to index
    %get3A_506 = arith.constant 96 : index
    %get3A_507 = tpu.vector_load %arg14[%get3A_505, %get3A_506] {strides = array<i32>} : memref<2x128xf32, #tpu.memory_space<vmem>>, vector<16xf32>,
    %add3A_508 = arith.addf %get3A_503, %get3A_507 : vector<16xf32>
    %get3A_509 = arith.constant 0 : i32
    %get3A_510 = arith.index_cast %get3A_509 : i32 to index
    %get3A_511 = arith.constant 96 : index
    %get3A_512 = tpu.vector_load %arg15[%get3A_510, %get3A_511] {strides = array<i32>} : memref<2x128xf32, #tpu.memory_space<vmem>>, vector<16xf32>,
    %get3A_513 = arith.constant 0 : i32
    %get3A_514 = arith.index_cast %get3A_513 : i32 to index
    %get3A_515 = arith.constant 96 : index
    %get3A_516 = tpu.vector_load %arg16[%get3A_514, %get3A_515] {strides = array<i32>} : memref<2x128xf32, #tpu.memory_space<vmem>>, vector<16xf32>,
    %add3A_517 = arith.addf %get3A_512, %get3A_516 : vector<16xf32>
    %get3A_518 = arith.constant 1 : i32
    %get3A_519 = arith.index_cast %get3A_518 : i32 to index
    %get3A_520 = arith.constant 96 : index
    %get3A_521 = tpu.vector_load %arg15[%get3A_519, %get3A_520] {strides = array<i32>} : memref<2x128xf32, #tpu.memory_space<vmem>>, vector<16xf32>,
    %get3A_522 = arith.constant 1 : i32
    %get3A_523 = arith.index_cast %get3A_522 : i32 to index
    %get3A_524 = arith.constant 96 : index
    %get3A_525 = tpu.vector_load %arg16[%get3A_523, %get3A_524] {strides = array<i32>} : memref<2x128xf32, #tpu.memory_space<vmem>>, vector<16xf32>,
    %add3A_526 = arith.addf %get3A_521, %get3A_525 : vector<16xf32>
    %get3A_527 = arith.constant 0 : i32
    %get3A_528 = arith.index_cast %get3A_527 : i32 to index
    %get3A_529 = arith.constant 96 : index
    %get3A_530 = tpu.vector_load %arg17[%get3A_528, %get3A_529] {strides = array<i32>} : memref<2x128xf32, #tpu.memory_space<vmem>>, vector<16xf32>,
    %get3A_531 = arith.constant 0 : i32
    %get3A_532 = arith.index_cast %get3A_531 : i32 to index
    %get3A_533 = arith.constant 96 : index
    %get3A_534 = tpu.vector_load %arg18[%get3A_532, %get3A_533] {strides = array<i32>} : memref<2x128xf32, #tpu.memory_space<vmem>>, vector<16xf32>,
    %add3A_535 = arith.addf %get3A_530, %get3A_534 : vector<16xf32>
    %get3A_536 = arith.constant 0 : i32
    %get3A_537 = arith.index_cast %get3A_536 : i32 to index
    %get3A_538 = arith.constant 96 : index
    %get3A_539 = tpu.vector_load %arg19[%get3A_537, %get3A_538] {strides = array<i32>} : memref<2x128xf32, #tpu.memory_space<vmem>>, vector<16xf32>,
    %get3A_540 = arith.constant 0 : i32
    %get3A_541 = arith.index_cast %get3A_540 : i32 to index
    %get3A_542 = arith.constant 96 : index
    %get3A_543 = tpu.vector_load %arg20[%get3A_541, %get3A_542] {strides = array<i32>} : memref<2x128xf32, #tpu.memory_space<vmem>>, vector<16xf32>,
    %add3A_544 = arith.addf %get3A_539, %get3A_543 : vector<16xf32>
    %mul3A_545 = arith.mulf %add3A_499, %add3A_508 : vector<16xf32>
    %mul3A_546 = arith.mulf %add3A_517, %add3A_526 : vector<16xf32>
    %add3A_547 = arith.addf %mul3A_545, %mul3A_546 : vector<16xf32>
    %mul3A_548 = arith.mulf %add3A_535, %add3A_547 : vector<16xf32>
    %add3A_549 = arith.addf %add3A_490, %mul3A_548 : vector<16xf32>
    %mul3A_550 = arith.mulf %add3A_499, %add3A_526 : vector<16xf32>
    %mul3A_551 = arith.mulf %add3A_517, %add3A_508 : vector<16xf32>
    %sub3A_552 = arith.subf %mul3A_550, %mul3A_551 : vector<16xf32>
    %mul3A_553 = arith.mulf %add3A_544, %sub3A_552 : vector<16xf32>
    %add3A_554 = arith.addf %add3A_549, %mul3A_553 : vector<16xf32>
    %get3A_555 = arith.constant 0 : i32
    %get3A_556 = arith.index_cast %get3A_555 : i32 to index
    %get3A_557 = arith.constant 112 : index
    %get3A_558 = tpu.vector_load %arg13[%get3A_556, %get3A_557] {strides = array<i32>} : memref<2x128xf32, #tpu.memory_space<vmem>>, vector<16xf32>,
    %get3A_559 = arith.constant 0 : i32
    %get3A_560 = arith.index_cast %get3A_559 : i32 to index
    %get3A_561 = arith.constant 112 : index
    %get3A_562 = tpu.vector_load %arg14[%get3A_560, %get3A_561] {strides = array<i32>} : memref<2x128xf32, #tpu.memory_space<vmem>>, vector<16xf32>,
    %add3A_563 = arith.addf %get3A_558, %get3A_562 : vector<16xf32>
    %get3A_564 = arith.constant 1 : i32
    %get3A_565 = arith.index_cast %get3A_564 : i32 to index
    %get3A_566 = arith.constant 112 : index
    %get3A_567 = tpu.vector_load %arg13[%get3A_565, %get3A_566] {strides = array<i32>} : memref<2x128xf32, #tpu.memory_space<vmem>>, vector<16xf32>,
    %get3A_568 = arith.constant 1 : i32
    %get3A_569 = arith.index_cast %get3A_568 : i32 to index
    %get3A_570 = arith.constant 112 : index
    %get3A_571 = tpu.vector_load %arg14[%get3A_569, %get3A_570] {strides = array<i32>} : memref<2x128xf32, #tpu.memory_space<vmem>>, vector<16xf32>,
    %add3A_572 = arith.addf %get3A_567, %get3A_571 : vector<16xf32>
    %get3A_573 = arith.constant 0 : i32
    %get3A_574 = arith.index_cast %get3A_573 : i32 to index
    %get3A_575 = arith.constant 112 : index
    %get3A_576 = tpu.vector_load %arg15[%get3A_574, %get3A_575] {strides = array<i32>} : memref<2x128xf32, #tpu.memory_space<vmem>>, vector<16xf32>,
    %get3A_577 = arith.constant 0 : i32
    %get3A_578 = arith.index_cast %get3A_577 : i32 to index
    %get3A_579 = arith.constant 112 : index
    %get3A_580 = tpu.vector_load %arg16[%get3A_578, %get3A_579] {strides = array<i32>} : memref<2x128xf32, #tpu.memory_space<vmem>>, vector<16xf32>,
    %add3A_581 = arith.addf %get3A_576, %get3A_580 : vector<16xf32>
    %get3A_582 = arith.constant 1 : i32
    %get3A_583 = arith.index_cast %get3A_582 : i32 to index
    %get3A_584 = arith.constant 112 : index
    %get3A_585 = tpu.vector_load %arg15[%get3A_583, %get3A_584] {strides = array<i32>} : memref<2x128xf32, #tpu.memory_space<vmem>>, vector<16xf32>,
    %get3A_586 = arith.constant 1 : i32
    %get3A_587 = arith.index_cast %get3A_586 : i32 to index
    %get3A_588 = arith.constant 112 : index
    %get3A_589 = tpu.vector_load %arg16[%get3A_587, %get3A_588] {strides = array<i32>} : memref<2x128xf32, #tpu.memory_space<vmem>>, vector<16xf32>,
    %add3A_590 = arith.addf %get3A_585, %get3A_589 : vector<16xf32>
    %get3A_591 = arith.constant 0 : i32
    %get3A_592 = arith.index_cast %get3A_591 : i32 to index
    %get3A_593 = arith.constant 112 : index
    %get3A_594 = tpu.vector_load %arg17[%get3A_592, %get3A_593] {strides = array<i32>} : memref<2x128xf32, #tpu.memory_space<vmem>>, vector<16xf32>,
    %get3A_595 = arith.constant 0 : i32
    %get3A_596 = arith.index_cast %get3A_595 : i32 to index
    %get3A_597 = arith.constant 112 : index
    %get3A_598 = tpu.vector_load %arg18[%get3A_596, %get3A_597] {strides = array<i32>} : memref<2x128xf32, #tpu.memory_space<vmem>>, vector<16xf32>,
    %add3A_599 = arith.addf %get3A_594, %get3A_598 : vector<16xf32>
    %get3A_600 = arith.constant 0 : i32
    %get3A_601 = arith.index_cast %get3A_600 : i32 to index
    %get3A_602 = arith.constant 112 : index
    %get3A_603 = tpu.vector_load %arg19[%get3A_601, %get3A_602] {strides = array<i32>} : memref<2x128xf32, #tpu.memory_space<vmem>>, vector<16xf32>,
    %get3A_604 = arith.constant 0 : i32
    %get3A_605 = arith.index_cast %get3A_604 : i32 to index
    %get3A_606 = arith.constant 112 : index
    %get3A_607 = tpu.vector_load %arg20[%get3A_605, %get3A_606] {strides = array<i32>} : memref<2x128xf32, #tpu.memory_space<vmem>>, vector<16xf32>,
    %add3A_608 = arith.addf %get3A_603, %get3A_607 : vector<16xf32>
    %mul3A_609 = arith.mulf %add3A_563, %add3A_572 : vector<16xf32>
    %mul3A_610 = arith.mulf %add3A_581, %add3A_590 : vector<16xf32>
    %add3A_611 = arith.addf %mul3A_609, %mul3A_610 : vector<16xf32>
    %mul3A_612 = arith.mulf %add3A_599, %add3A_611 : vector<16xf32>
    %add3A_613 = arith.addf %add3A_554, %mul3A_612 : vector<16xf32>
    %mul3A_614 = arith.mulf %add3A_563, %add3A_590 : vector<16xf32>
    %mul3A_615 = arith.mulf %add3A_581, %add3A_572 : vector<16xf32>
    %sub3A_616 = arith.subf %mul3A_614, %mul3A_615 : vector<16xf32>
    %mul3A_617 = arith.mulf %add3A_608, %sub3A_616 : vector<16xf32>
    %add3A_618 = arith.addf %add3A_613, %mul3A_617 : vector<16xf32>
    %reduce_sum3A = arith.constant true
    %reduce_sum3A_619 = vector.broadcast %reduce_sum3A : i1 to vector<16xi1>
    %reduce_sum3A_620 = tpu.scan <sum>, %add3A_618 masked %reduce_sum3A_619 : vector<16xf32>, vector<16xi1> -> vector<16xf32>
    %reduce_sum3A_621 = vector.extract %reduce_sum3A_620[15] : f32 from vector<16xf32>
    %mul3A_622 = arith.constant 7.812500e-03 : f32
    %mul3A_623 = arith.mulf %reduce_sum3A_621, %mul3A_622 : f32
    %broadcast_in_dim3A_624 = vector.broadcast %mul3A_623 : f32 to vector<16xf32>
    %neg3A = arith.constant 0.000000e+00 : f32
    %neg3A_625 = vector.broadcast %neg3A : f32 to vector<16xf32>
    %neg3A_626 = arith.subf %neg3A_625, %broadcast_in_dim3A_624 : vector<16xf32>
    %exp3A = math.exp %neg3A_626 : vector<16xf32>
    %add3A_627 = arith.constant 1.000000e+00 : f32
    %add3A_628 = vector.broadcast %add3A_627 : f32 to vector<16xf32>
    %add3A_629 = arith.addf %add3A_628, %exp3A : vector<16xf32>
    %div3A = arith.constant 1.000000e+00 : f32
    %div3A_630 = vector.broadcast %div3A : f32 to vector<16xf32>
    %div3A_631 = arith.divf %div3A_630, %add3A_629 : vector<16xf32>
    %swap3A = arith.constant 0 : index
    %swap3A_632 = tpu.vector_load %arg21[%swap3A] {strides = array<i32>} : memref<16xf32, #tpu.memory_space<vmem>>, vector<16xf32>,
    tpu.vector_store %arg21[%swap3A], %div3A_631 {strides = array<i32>} : memref<16xf32, #tpu.memory_space<vmem>>, vector<16xf32>,
    "tpu.region"() ({
      %run_scoped3A = tpu.sem_alloc : memref<!tpu.dma_semaphore, #tpu.memory_space<semaphore_mem>>
      tpu.enqueue_dma source(%arg21 : memref<16xf32, #tpu.memory_space<vmem>>) target(%arg11 : memref<16xf32, #tpu.memory_space<hbm>>) target_semaphore(%run_scoped3A : memref<!tpu.dma_semaphore, #tpu.memory_space<semaphore_mem>>)
      tpu.wait_dma2 semaphore(%run_scoped3A : memref<!tpu.dma_semaphore, #tpu.memory_space<semaphore_mem>>) src(%arg21 : memref<16xf32, #tpu.memory_space<vmem>>) dst(%arg11 : memref<16xf32, #tpu.memory_space<hbm>>)
      tpu.yield
    }) : () -> ()
    return
  }
}

</mosaic_0001>

<sc_bundles>
// kernel: kernel.3.cloned.1.call-start
scs
__scs_entry_jumppad:
0x0: {  	(pc) =	sbr.rel $0x88, $3  }
0x1: {  	(tag) =	ssettag $0x0;
	lr =	simm.s32 $0x1  }
0x2: {  	[smem:$0x3F96] =	sst lr;
	_ =	strace $0xD0000000  }
0x3: {  	_ = 	snop  }
0x4: {  	_ = 	snop  }
0x5: {  	_ = 	snop  }
0x6: {  	_ = 	snop  }
0x7: {  	_ = 	snop  }
__scs_overlays_trampoline_lowered:
0x8: {  	[smem:$0x3FA5] =	sst s0  }
0x9: {  	[smem:$0x3FA6] =	sst s1  }
0xa: {  	[smem:$0x3FA7] =	sst s2  }
0xb: {  	[smem:$0x3FA8] =	sst s3  }
0xc: {  	[smem:$0x3FA9] =	sst s4  }
0xd: {  	[smem:$0x3FAA] =	sst s5  }
0xe: {  	[smem:$0x3FAB] =	sst s6  }
0xf: {  	[smem:$0x3FAC] =	sst s7  }
0x10: {  	[smem:$0x3FAD] =	sst s8  }
0x11: {  	[smem:$0x3FAE] =	sst s9;
	s0 =	simm.s32 @!p0 $0x0  }
0x12: {  	s1 =	sld [smem:$0x3F94];
	s0 =	simm.s32 @p0 $0x1  }
0x13: {  	[smem:$0x3FAF] =	sst s0;
	s0 =	simm.s32 @!p1 $0x0  }
0x14: {  	s2 =	sld [smem:$0x3F93];
	s0 =	simm.s32 @p1 $0x1  }
0x15: {  	[smem:$0x3FB0] =	sst s0;
	s0 =	simm.s32 @!p2 $0x0  }
0x16: {  	s3 =	sld [smem:$0x3FDB];
	s0 =	simm.s32 @p2 $0x1  }
0x17: {  	s4 =	simm.s32 $0x1BF5;
	[smem:$0x3FB2] =	sst s0  }
0x18: {  	s0 =	sld [smem:$0x3F95];
	_ =	swait.ge [sflag:s4], $0x0  }
0x19: {  	s7 =	sld [smem:$0x3F96]  }
0x1a: {  	s8 =	sadd.s32 $0xFFFFE003, lr  }
0x1b: {  	s9 =	sadd.s32 $0xFFFFFEF7, lr;
	s5 =	simm.s32 $0xFFFFFFFF;
	p2 =	slt.u32 s8, $0xFFFFF086  }
0x1c: {  	p1 =	slt.u32 s9, $0xF7A;
	s5 =	simm.s32 @!p2 $0x0  }
0x1d: {  	s5 =	simm.s32 @p1 $0x1;
	p0 =	seq.s32 s7, s2  }
0x1e: {  	s7 =	smul.u32 @!p0 $0xF7A, s2;
	p2 =	seq.s32 @!p0 s5, $0x0  }
0x1f: {  	s9 =	smul.u32 $0xF7A, s1;
	s8 =	simm.s32 @!p0 $0x1BF5;
	p2 =	por !p2, p0  }
0x20: {  	[sflag:s8] =	ssyncset.s32 @!p0 $0xFFFFF086;
	s6 =	sadd.s32 @!p0 s3, s7;
	s7 =	simm.s32 @!p0 $0x108  }
0x21: {  	s3 =	sadd.s32 s3, s9;
	s6 =	sadd.s32 @!p0 $0x88, s6;
	s7 =	simm.s32 @p2 $0x1082  }
0x22: {  	[simem:s7], [sflag:s8] =	dma.local @!p0 [hbm:s6], $0xF7A  }
0x23: {  	s9 =	sor.u32 $0xD0000000, s2;
	s6 =	simm.s32 $0x108;
	_ =	swait.ge @!p0 [sflag:s8], $0x0  }
0x24: {  	s3 =	sadd.s32 $0x88, s3;
	s6 =	simm.s32 @!p1 $0x1082;
	[sflag:s4] =	ssyncset.s32 $0xFFFFF086  }
0x25: {  	[simem:s6], [sflag:s4] =	dma.local [hbm:s3], $0xF7A  }
0x26: {  	[smem:$0x3F96] =	sst s1;
	(tag) =	ssettag s2;
	_ =	strace s9  }
0x27: {  	s1 =	sld [smem:$0x3FA6]  }
0x28: {  	s2 =	sld [smem:$0x3FA7]  }
0x29: {  	s4 =	sld [smem:$0x3FA9]  }
0x2a: {  	p0 =	seq.s32 s5, $0x0;
	s5 =	sld [smem:$0x3FAA]  }
0x2b: {  	s6 =	sld [smem:$0x3FAB]  }
0x2c: {  	s7 =	sld [smem:$0x3FAC]  }
0x2d: {  	s3 =	simm.s32 $0x108;
	s8 =	sld [smem:$0x3FAD]  }
0x2e: {  	s3 =	simm.s32 @!p0 $0x1082;
	s9 =	sld [smem:$0x3FAE]  }
0x2f: {  	lr =	sadd.s32 s0, s3;
	s0 =	sld [smem:$0x3FA5]  }
0x30: {  	s3 =	sld [smem:$0x3FA8]  }
0x31: {  	[smem:$0x3FB1] =	sst s10  }
0x32: {  	s10 =	sld [smem:$0x3FAF];
	_ =	sdelay $0x3  }
0x33: {  	p0 =	seq.s32 s10, $0x1;
	s10 =	sld [smem:$0x3FB1];
	_ =	sdelay $0x3  }
0x34: {  	[smem:$0x3FB1] =	sst s10  }
0x35: {  	s10 =	sld [smem:$0x3FB0];
	_ =	sdelay $0x3  }
0x36: {  	p1 =	seq.s32 s10, $0x1;
	s10 =	sld [smem:$0x3FB1];
	_ =	sdelay $0x3  }
0x37: {  	[smem:$0x3FB1] =	sst s10  }
0x38: {  	s10 =	sld [smem:$0x3FB2]  }
0x39: {  	_ = 	snop;
	(pc) =	sbr.ind lr, $3  }
0x3a: {  	_ = 	snop  }
0x3b: {  	_ = 	snop  }
0x3c: {  	p2 =	seq.s32 s10, $0x1;
	s10 =	sld [smem:$0x3FB1]  }
0x3d: {  	_ =	shalt  }
0x3e: {  	_ =	shalt  }
0x3f: {  	_ =	shalt  }
0x40: {  	_ =	shalt  }
0x41: {  	_ =	shalt  }
0x42: {  	_ =	shalt  }
0x43: {  	_ =	shalt  }
0x44: {  	_ =	shalt  }
0x45: {  	_ =	shalt  }
0x46: {  	_ =	shalt  }
0x47: {  	_ =	shalt  }
0x48: {  	_ =	shalt  }
0x49: {  	_ =	shalt  }
0x4a: {  	_ =	shalt  }
0x4b: {  	_ =	shalt  }
0x4c: {  	_ =	shalt  }
0x4d: {  	_ =	shalt  }
0x4e: {  	_ =	shalt  }
0x4f: {  	_ =	shalt  }
0x50: {  	_ =	shalt  }
0x51: {  	_ =	shalt  }
0x52: {  	_ =	shalt  }
0x53: {  	_ =	shalt  }
0x54: {  	_ =	shalt  }
0x55: {  	_ =	shalt  }
0x56: {  	_ =	shalt  }
0x57: {  	_ =	shalt  }
0x58: {  	_ =	shalt  }
0x59: {  	_ =	shalt  }
0x5a: {  	_ =	shalt  }
0x5b: {  	_ =	shalt  }
0x5c: {  	_ =	shalt  }
0x5d: {  	_ =	shalt  }
0x5e: {  	_ =	shalt  }
0x5f: {  	_ =	shalt  }
0x60: {  	_ =	shalt  }
0x61: {  	_ =	shalt  }
0x62: {  	_ =	shalt  }
0x63: {  	_ =	shalt  }
0x64: {  	_ =	shalt  }
0x65: {  	_ =	shalt  }
0x66: {  	_ =	shalt  }
0x67: {  	_ =	shalt  }
0x68: {  	_ =	shalt  }
0x69: {  	_ =	shalt  }
0x6a: {  	_ =	shalt  }
0x6b: {  	_ =	shalt  }
0x6c: {  	_ =	shalt  }
0x6d: {  	_ =	shalt  }
0x6e: {  	_ =	shalt  }
0x6f: {  	_ =	shalt  }
0x70: {  	_ =	shalt  }
0x71: {  	_ =	shalt  }
0x72: {  	_ =	shalt  }
0x73: {  	_ =	shalt  }
0x74: {  	_ =	shalt  }
0x75: {  	_ =	shalt  }
0x76: {  	_ =	shalt  }
0x77: {  	_ =	shalt  }
0x78: {  	_ =	shalt  }
0x79: {  	_ =	shalt  }
0x7a: {  	_ =	shalt  }
0x7b: {  	_ =	shalt  }
0x7c: {  	_ =	shalt  }
0x7d: {  	_ =	shalt  }
0x7e: {  	_ =	shalt  }
0x7f: {  	_ =	shalt  }
0x80: {  	_ =	shalt  }
0x81: {  	_ =	shalt  }
0x82: {  	_ =	shalt  }
0x83: {  	_ =	shalt  }
0x84: {  	_ =	shalt  }
0x85: {  	_ =	shalt  }
0x86: {  	_ =	shalt  }
0x87: {  	_ =	shalt  }
.Lfunc_end0:
.L_simem_size_0:
called_computation_lowered:
.L_overlay_start_0:
0x88: {  	s0 =	sld [smem:$0x3FD9]  }
0x89: {  	s1 =	sld [smem:$0x3FFE];
	_ =	sdelay $0x3  }
0x8a: {  	s0 =	sadd.s32 s1, s0  }
0x8b: {  	[smem:$0x3FBD] =	sst s0  }
0x8c: {  	_ = 	snop  }
0x8d: {  	s0 =	sld [smem:$0x3FC9]  }
0x8e: {  	s16 =	sld [smem:$0x3FC8]  }
0x8f: {  	s2 =	sld [smem:$0x3FC7]  }
0x90: {  	s3 =	sld [smem:$0x3FC6]  }
0x91: {  	s4 =	sld [smem:$0x3FC5]  }
0x92: {  	s5 =	sld [smem:$0x3FC4]  }
0x93: {  	s6 =	sld [smem:$0x3FC3]  }
0x94: {  	s7 =	sld [smem:$0x3FC2]  }
0x95: {  	s8 =	sld [smem:$0x3FD0];
	(tm) =	ssettm $0x1  }
0x96: {  	s9 =	sld [smem:$0x3FFB];
	_ =	sdelay $0x3  }
0x97: {  	_ =	strace s9  }
0x98: {  	s9 =	sld [smem:$0x3FFC];
	_ =	sdelay $0x3  }
0x99: {  	_ =	strace s9  }
0x9a: {  	s9 =	sld [smem:$0x3FFD];
	_ =	sdelay $0x3  }
0x9b: {  	_ =	strace s9  }
0x9c: {  	_ =	strace $0x8FFFFFFF  }
0x9d: {  	s17 =	sld [smem:$0x3FDB];
	_ =	sdelay $0x1  }
0x9e: {  	s10 =	simm.s32 $_scs_section_size  }
0x9f: {  	s11 =	simm.s32 $_size__tile_overlayer_lowered;
	s12 =	simm.s32 $_tile_overlayer_lowered  }
0xa0: {  	s20 =	simm.s32 $0x1BFF;
	s19 =	sshll.u32 s12, $0x1;
	s9 =	sadd.s32 s10, s17  }
0xa1: {  	s13 =	simm.s32 $0x0;
	s18 =	sshll.u32 s11, $0x1;
	s11 =	sadd.s32 s19, s9  }
0xa2: {  	[timem:s13], [sflag:s20] =	dma.local [hbm:s11], s18  }
0xa3: {  	_ =	swait.ge [sflag:s20], s18  }
0xa4: {  	s10 =	ssub.s32 $0x0, s18;
	[sflag:s20] =	ssyncset.done $0x0  }
0xa5: {  	[sflag:s20] =	ssyncadd.s32 s10;
	_ =	sdelay $0x1  }
0xa6: {  	s21 =	simm.s32 $0x1B8B  }
0xa7: {  	_ =	swait.ge [sflag:s21], $0x1  }
0xa8: {  	[sflag:s21] =	ssyncset.done $0x0  }
0xa9: {  	s23 =	simm.s32 $0x1B8E;
	s22 =	sld [smem:$0x3FFE];
	[sflag:s21] =	ssyncadd.s32 $0xFFFFFFFF  }
0xaa: {  	s24 =	simm.s32 $execute0_lowered;
	[smem:$0x3FD2] =	sst s23  }
0xab: {  	s11 =	sshll.u32 s24, $0x1;
	_ =	strace $0x80000046;
	[dreg:$0x1] =	wrdreg $0xFFFFFFFF  }
0xac: {  	s25 =	simm.s32 $_size_execute0_lowered;
	s9 =	sadd.s32 s9, s11;
	[dreg:$0x0] =	wrdreg $0x0  }
0xad: {  	s11 =	sshll.u32 s25, $0x1;
	[dreg:$0x2] =	wrdreg s9  }
0xae: {  	[dreg:$0x3] =	wrdreg s11  }
0xaf: {  	[dreg:$0x4] =	wrdreg $0xC0  }
0xb0: {  	_ =	task [dreg:s13], $0x5FFFF  }
0xb1: {  	[dreg:$0x1] =	wrdreg $0xFFFFFFFF  }
0xb2: {  	[dreg:$0x0] =	wrdreg $0x60  }
0xb3: {  	[dreg:$0x2] =	wrdreg s0  }
0xb4: {  	[dreg:$0x3] =	wrdreg s16  }
0xb5: {  	[dreg:$0x4] =	wrdreg s2  }
0xb6: {  	[dreg:$0x5] =	wrdreg s3  }
0xb7: {  	[dreg:$0x6] =	wrdreg s4  }
0xb8: {  	[dreg:$0x7] =	wrdreg s5  }
0xb9: {  	[dreg:$0x8] =	wrdreg s6  }
0xba: {  	[dreg:$0x9] =	wrdreg s7  }
0xbb: {  	[dreg:$0xa] =	wrdreg s22  }
0xbc: {  	[dreg:$0xb] =	wrdreg s8  }
0xbd: {  	[dreg:$0xc] =	wrdreg $0x9  }
0xbe: {  	_ =	task.clear_ibuf [dreg:s13], $0xDFFFF;
	_ =	strace $0x90000046  }
0xbf: {  	s26 =	simm.s32 $0x9;
	_ =	strace $0x80000048  }
0xc0: {  	_ =	swait.ge [sflag:s26], $0x1  }
0xc1: {  	[sflag:s26] =	ssyncadd.s32 $0xFFFFFFFF  }
0xc2: {  	_ =	strace $0x90000048  }
0xc3: {  	_ =	sfence  }
0xc4: {  	s28 =	sld [smem:$0x0];
	_ =	sdelay $0x1  }
0xc5: {  	s29 =	srdreg.scid  }
0xc6: {  	s30 =	sshll.u32 s29, $0xD;
	s31 =	sshrl.u32 s29, $0x2  }
0xc7: {  	s1 =	sand.u32 $0x1, s29;
	s2 =	sand.u32 $0x4000, s30;
	s0 =	sadd.s32 s31, s28  }
0xc8: {  	s1 =	sor.u32 s2, s1;
	s0 =	sshll.u32 s0, $0x11  }
0xc9: {  	s0 =	sor.u32 s0, s1  }
0xca: {  	s0 =	sadd.s32 $0x8F2B, s0  }
0xcb: {  	[sflag:s0] =	ssyncadd.remote.s32 $0x1  }
0xcc: {  	_ =	sfence.sel $0xFFFF  }
0xcd: {  	[dreg:$0x0] =	wrdreg $0xFFFFFFFF;
	(pc) =	sbr.abs _section_cstart, $3  }
0xce: {  	[dreg:$0x1] =	wrdreg $0xFFFFFFFF  }
0xcf: {  	_ =	task.clear_ibuf [dreg:s13], $0x2FFFF;
	_ =	strace $0x9FFFFFFF  }
0xd0: {  	(tm) =	ssettm $0x7FFFFFFF  }
0xd1: {  	_ =	shalt  }
tec
execute0_lowered:
.L_overlay_start_1:
0x0: {  	(tag) =	ssettag $0x1  }
0x1: {  	s11 =	rddreg [dreg:$0x0]  }
0x2: {  	s10 =	rddreg [dreg:$0x1]  }
0x3: {  	s9 =	rddreg [dreg:$0x2]  }
0x4: {  	s8 =	rddreg [dreg:$0x3]  }
0x5: {  	s7 =	rddreg [dreg:$0x4];
	s3 =	stileid.u32  }
0x6: {  	s6 =	rddreg [dreg:$0x5];
	p0 =	sne.s32 s3, $0x0  }
.Ltmp0:
0x7: {  	s5 =	rddreg [dreg:$0x6];
	(pc) =	sbr.rel @p0 .LBB2_2-.Ltmp0, $4  }
0x8: {  	s4 =	rddreg [dreg:$0x7]  }
0x9: {  	s2 =	rddreg [dreg:$0x8]  }
0xa: {  	s1 =	rddreg [dreg:$0x9]  }
0xb: {  	s0 =	rddreg [dreg:$0xa];
	_ =	strace $0x80000047  }
0xc: {  	s2 =	sadd.s32 $0x400, s2;
	s3 =	simm.s32 $0x0;
	s19 =	simm.s32 $0x2  }
0xd: {  	[tilespmem:s3], [sflag:$0x2] =	stream.linear.gather [hbm4b:s2+s3], $0x100, $0x38;
	[tilespmem:$0x980] =	vst v63  }
0xe: {  	_ =	swait.ge [sflag:s19], $0x100  }
0xf: {  	[sflag:s19] =	ssyncset.done $0x0  }
0x10: {  	s12 =	simm.s32 $0x100;
	[sflag:s19] =	ssyncadd.s32 $0xFFFFFF00  }
0x11: {  	[tilespmem:s12], [sflag:$0x1] =	stream.indirect.gather [hbm4b:s11+s19], $0x80, s3, s19, $0xb8;
	[tilespmem:$0x980] =	vst v63  }
0x12: {  	s20 =	simm.s32 $0x200  }
0x13: {  	[tilespmem:s20], [sflag:$0x1] =	stream.indirect.gather [hbm4b:s10+s19], $0x80, s3, s19, $0xb8;
	[tilespmem:$0x980] =	vst v63  }
0x14: {  	s21 =	simm.s32 $0x300  }
0x15: {  	[tilespmem:s21], [sflag:$0x1] =	stream.indirect.gather [hbm4b:s9+s19], $0x80, s3, s19, $0xb8;
	[tilespmem:$0x980] =	vst v63  }
0x16: {  	s22 =	simm.s32 $0x400  }
0x17: {  	[tilespmem:s22], [sflag:$0x1] =	stream.indirect.gather [hbm4b:s8+s19], $0x80, s3, s19, $0xb8;
	[tilespmem:$0x980] =	vst v63  }
0x18: {  	s23 =	simm.s32 $0x80;
	s24 =	simm.s32 $0x500  }
0x19: {  	[tilespmem:s24], [sflag:$0x1] =	stream.indirect.gather [hbm4b:s7+s19], $0x80, s23, s19, $0xb8;
	[tilespmem:$0x980] =	vst v63  }
0x1a: {  	s25 =	simm.s32 $0x600  }
0x1b: {  	[tilespmem:s25], [sflag:$0x1] =	stream.indirect.gather [hbm4b:s6+s19], $0x80, s23, s19, $0xb8;
	[tilespmem:$0x980] =	vst v63  }
0x1c: {  	s26 =	simm.s32 $0x700  }
0x1d: {  	[tilespmem:s26], [sflag:$0x1] =	stream.indirect.gather [hbm4b:s5+s19], $0x80, s23, s19, $0xb8;
	[tilespmem:$0x980] =	vst v63  }
0x1e: {  	s28 =	simm.s32 $0x800;
	s29 =	simm.s32 $0x1  }
0x1f: {  	[tilespmem:s28], [sflag:$0x1] =	stream.indirect.gather [hbm4b:s4+s19], $0x80, s23, s19, $0xb8;
	[tilespmem:$0x980] =	vst v63  }
0x20: {  	_ =	swait.ge [sflag:s29], $0x100  }
0x21: {  	[sflag:s29] =	ssyncset.done $0x0  }
0x22: {  	[sflag:s29] =	ssyncadd.s32 $0xFFFFFF00  }
0x23: {  	_ =	swait.ge [sflag:s29], $0x100  }
0x24: {  	[sflag:s29] =	ssyncset.done $0x0  }
0x25: {  	[sflag:s29] =	ssyncadd.s32 $0xFFFFFF00  }
0x26: {  	_ =	swait.ge [sflag:s29], $0x100  }
0x27: {  	[sflag:s29] =	ssyncset.done $0x0  }
0x28: {  	[sflag:s29] =	ssyncadd.s32 $0xFFFFFF00  }
0x29: {  	_ =	swait.ge [sflag:s29], $0x100  }
0x2a: {  	[sflag:s29] =	ssyncset.done $0x0  }
0x2b: {  	[sflag:s29] =	ssyncadd.s32 $0xFFFFFF00  }
0x2c: {  	_ =	swait.ge [sflag:s29], $0x100  }
0x2d: {  	[sflag:s29] =	ssyncset.done $0x0  }
0x2e: {  	[sflag:s29] =	ssyncadd.s32 $0xFFFFFF00  }
0x2f: {  	_ =	swait.ge [sflag:s29], $0x100  }
0x30: {  	[sflag:s29] =	ssyncset.done $0x0  }
0x31: {  	[sflag:s29] =	ssyncadd.s32 $0xFFFFFF00  }
0x32: {  	_ =	swait.ge [sflag:s29], $0x100  }
0x33: {  	[sflag:s29] =	ssyncset.done $0x0  }
0x34: {  	[sflag:s29] =	ssyncadd.s32 $0xFFFFFF00  }
0x35: {  	_ =	swait.ge [sflag:s29], $0x100  }
0x36: {  	[sflag:s29] =	ssyncset.done $0x0  }
0x37: {  	[sflag:s29] =	ssyncadd.s32 $0xFFFFFF00  }
0x38: {  	v0 =	vld [tilespmem:$0x100]  }
0x39: {  	v1 =	vld [tilespmem:$0x200]  }
0x3a: {  	v2 =	vld [tilespmem:$0x180]  }
0x3b: {  	v3 =	vld [tilespmem:$0x280]  }
0x3c: {  	v4 =	vld [tilespmem:$0x300]  }
0x3d: {  	v5 =	vld [tilespmem:$0x400]  }
0x3e: {  	v6 =	vld [tilespmem:$0x380]  }
0x3f: {  	v7 =	vld [tilespmem:$0x480]  }
0x40: {  	v8 =	vld [tilespmem:$0x500]  }
0x41: {  	v9 =	vld [tilespmem:$0x600]  }
0x42: {  	v10 =	vld [tilespmem:$0x700]  }
0x43: {  	v11 =	vld [tilespmem:$0x800]  }
0x44: {  	v12 =	vld [tilespmem:$0x110]  }
0x45: {  	v13 =	vld [tilespmem:$0x210]  }
0x46: {  	v14 =	vld [tilespmem:$0x190]  }
0x47: {  	v15 =	vld [tilespmem:$0x290]  }
0x48: {  	v16 =	vld [tilespmem:$0x310]  }
0x49: {  	v17 =	vld [tilespmem:$0x410]  }
0x4a: {  	v18 =	vld [tilespmem:$0x390]  }
0x4b: {  	v19 =	vld [tilespmem:$0x490]  }
0x4c: {  	v20 =	vld [tilespmem:$0x510]  }
0x4d: {  	v21 =	vld [tilespmem:$0x610]  }
0x4e: {  	v22 =	vld [tilespmem:$0x710]  }
0x4f: {  	v23 =	vld [tilespmem:$0x810]  }
0x50: {  	v24 =	vld [tilespmem:$0x120]  }
0x51: {  	v25 =	vld [tilespmem:$0x220]  }
0x52: {  	v26 =	vld [tilespmem:$0x1A0]  }
0x53: {  	v27 =	vld [tilespmem:$0x2A0]  }
0x54: {  	v28 =	vld [tilespmem:$0x320]  }
0x55: {  	v29 =	vld [tilespmem:$0x420]  }
0x56: {  	v30 =	vld [tilespmem:$0x3A0]  }
0x57: {  	v31 =	vld [tilespmem:$0x4A0]  }
0x58: {  	v32 =	vld [tilespmem:$0x520]  }
0x59: {  	v33 =	vld [tilespmem:$0x620]  }
0x5a: {  	v34 =	vld [tilespmem:$0x720]  }
0x5b: {  	v35 =	vld [tilespmem:$0x820]  }
0x5c: {  	v36 =	vld [tilespmem:$0x130]  }
0x5d: {  	v37 =	vld [tilespmem:$0x230]  }
0x5e: {  	v38 =	vld [tilespmem:$0x1B0]  }
0x5f: {  	v39 =	vld [tilespmem:$0x2B0]  }
0x60: {  	v40 =	vld [tilespmem:$0x330]  }
0x61: {  	v41 =	vld [tilespmem:$0x430]  }
0x62: {  	v42 =	vld [tilespmem:$0x3B0]  }
0x63: {  	v43 =	vld [tilespmem:$0x4B0]  }
0x64: {  	v44 =	vld [tilespmem:$0x530]  }
0x65: {  	v45 =	vld [tilespmem:$0x630]  }
0x66: {  	v47 =	vld [tilespmem:$0x240]  }
0x67: {  	v53 =	vld [tilespmem:$0x4C0]  }
0x68: {  	v59 =	vadd.f32 v3, v2;
	v2 =	vld [tilespmem:$0x730]  }
0x69: {  	v60 =	vadd.f32 v5, v4;
	v5 =	vld [tilespmem:$0x830]  }
0x6a: {  	v61 =	vadd.f32 v7, v6;
	v6 =	vld [tilespmem:$0x140]  }
0x6b: {  	v3 =	vld [tilespmem:$0x1C0]  }
0x6c: {  	v63 =	vadd.f32 v9, v8;
	v8 =	vld [tilespmem:$0x2C0]  }
0x6d: {  	v48 =	vadd.f32 v11, v10;
	v11 =	vld [tilespmem:$0x440]  }
0x6e: {  	v50 =	vadd.f32 v15, v14;
	v14 =	vld [tilespmem:$0x3C0]  }
0x6f: {  	v51 =	vadd.f32 v17, v16;
	v17 =	vld [tilespmem:$0x540]  }
0x70: {  	v10 =	vld [tilespmem:$0x640]  }
0x71: {  	v52 =	vadd.f32 v19, v18;
	v19 =	vld [tilespmem:$0x150]  }
0x72: {  	v58 =	vadd.f32 v23, v22;
	v22 =	vld [tilespmem:$0x250]  }
0x73: {  	v0 =	vadd.f32 v1, v0;
	v18 =	vld [tilespmem:$0x350]  }
0x74: {  	v56 =	vadd.f32 v21, v20;
	v21 =	vld [tilespmem:$0x450]  }
0x75: {  	v49 =	vadd.f32 v13, v12;
	v13 =	vld [tilespmem:$0x3D0];
	v62 =	vmul.f32 v59, v0;
	v46 =	vmul.f32 v61, v60  }
0x76: {  	v0 =	vmul.f32 v61, v0;
	v1 =	vmul.f32 v60, v59;
	v59 =	vadd.f32 v25, v24;
	v24 =	vld [tilespmem:$0x2D0]  }
0x77: {  	v15 =	vmul.f32 v50, v49;
	v54 =	vmul.f32 v52, v49;
	v49 =	vld [tilespmem:$0x160]  }
0x78: {  	v16 =	vmul.f32 v52, v51;
	v55 =	vmul.f32 v51, v50;
	v60 =	vadd.f32 v27, v26;
	v50 =	vld [tilespmem:$0x260]  }
0x79: {  	v61 =	vadd.f32 v29, v28;
	v52 =	vld [tilespmem:$0x1E0];
	v7 =	vadd.f32 v46, v62  }
0x7a: {  	v0 =	vsub.f32 v0, v1;
	v1 =	vld [tilespmem:$0x340];
	v57 =	vadd.f32 v16, v15  }
0x7b: {  	v15 =	vld [tilespmem:$0x740];
	v62 =	vadd.f32 v31, v30;
	v31 =	vadd.f32 v33, v32  }
0x7c: {  	v32 =	vadd.f32 v35, v34;
	v33 =	vadd.f32 v37, v36;
	v35 =	vld [tilespmem:$0x4D0]  }
0x7d: {  	v34 =	vadd.f32 v39, v38;
	v36 =	vadd.f32 v41, v40;
	v38 =	vld [tilespmem:$0x650]  }
0x7e: {  	v37 =	vadd.f32 v43, v42;
	v41 =	vld [tilespmem:$0x750];
	v2 =	vadd.f32 v5, v2  }
0x7f: {  	v30 =	vmul.f32 v61, v60;
	v46 =	vld [tilespmem:$0x850];
	v6 =	vadd.f32 v47, v6;
	v3 =	vadd.f32 v8, v3  }
0x80: {  	v9 =	vadd.f32 v53, v14;
	v53 =	vld [tilespmem:$0x2E0];
	v4 =	vmul.f32 v7, v63;
	v0 =	vmul.f32 v48, v0  }
0x81: {  	v22 =	vadd.f32 v22, v19;
	v7 =	vld [tilespmem:$0x840];
	v12 =	vmul.f32 v57, v56;
	v63 =	vmul.f32 v60, v59  }
0x82: {  	v27 =	vadd.f32 v21, v18;
	v28 =	vmul.f32 v62, v61;
	v29 =	vmul.f32 v62, v59;
	v57 =	vld [tilespmem:$0x460]  }
0x83: {  	v39 =	vmul.f32 v34, v33;
	v48 =	vadd.f32 v45, v44;
	v59 =	vld [tilespmem:$0x3E0];
	v4 =	vadd.f32 $0.0e+00, v4  }
0x84: {  	v40 =	vmul.f32 v37, v36;
	v60 =	vadd.f32 v10, v17;
	v62 =	vld [tilespmem:$0x4E0];
	v5 =	vadd.f32 v50, v49  }
0x85: {  	v43 =	vmul.f32 v36, v34;
	v34 =	vld [tilespmem:$0x270];
	v0 =	vadd.f32 v0, v4;
	v4 =	vsub.f32 v54, v55  }
0x86: {  	v42 =	vmul.f32 v37, v33;
	v37 =	vld [tilespmem:$0x1F0];
	v16 =	vadd.f32 v28, v63;
	v23 =	vadd.f32 v40, v39  }
0x87: {  	v44 =	vld [tilespmem:$0x4F0];
	v1 =	vadd.f32 v11, v1;
	v0 =	vadd.f32 v12, v0;
	v4 =	vmul.f32 v58, v4  }
0x88: {  	v63 =	vld [tilespmem:$0x560];
	v13 =	vadd.f32 v35, v13;
	v40 =	vadd.f32 v46, v41;
	v16 =	vmul.f32 v16, v31  }
0x89: {  	v51 =	vmul.f32 v23, v48;
	v12 =	vld [tilespmem:$0x1D0];
	v0 =	vadd.f32 v4, v0;
	v4 =	vsub.f32 v29, v30  }
0x8a: {  	v39 =	vld [tilespmem:$0x2F0];
	v55 =	vmul.f32 v3, v6;
	v8 =	vadd.f32 v53, v52;
	v56 =	vmul.f32 v9, v1  }
0x8b: {  	v41 =	vld [tilespmem:$0x370];
	v1 =	vmul.f32 v1, v3;
	v0 =	vadd.f32 v16, v0;
	v4 =	vmul.f32 v32, v4  }
0x8c: {  	v54 =	vld [tilespmem:$0x360];
	v7 =	vadd.f32 v7, v15;
	v58 =	vmul.f32 v9, v6;
	v61 =	vadd.f32 v56, v55  }
0x8d: {  	v18 =	vmul.f32 v13, v27;
	v29 =	vld [tilespmem:$0x550];
	v0 =	vadd.f32 v4, v0;
	v4 =	vsub.f32 v42, v43  }
0x8e: {  	v35 =	vmul.f32 v13, v22;
	v1 =	vsub.f32 v58, v1;
	v12 =	vadd.f32 v24, v12;
	v24 =	vld [tilespmem:$0x660]  }
0x8f: {  	v46 =	vmul.f32 v8, v5;
	v42 =	vld [tilespmem:$0x470];
	v0 =	vadd.f32 v51, v0;
	v2 =	vmul.f32 v2, v4  }
0x90: {  	v45 =	vld [tilespmem:$0x860];
	v3 =	vadd.f32 v62, v59;
	v6 =	vmul.f32 v61, v60;
	v1 =	vmul.f32 v7, v1  }
0x91: {  	v32 =	vld [tilespmem:$0x170];
	v33 =	vmul.f32 v12, v22;
	v4 =	vadd.f32 v57, v54;
	v0 =	vadd.f32 v2, v0  }
0x92: {  	v43 =	vld [tilespmem:$0x3F0];
	v36 =	vmul.f32 v27, v12;
	v38 =	vadd.f32 v38, v29;
	v51 =	vadd.f32 v39, v37  }
0x93: {  	v30 =	vld [tilespmem:$0x760];
	v7 =	vadd.f32 v18, v33;
	v47 =	vmul.f32 v3, v4;
	v0 =	vadd.f32 v6, v0  }
0x94: {  	v50 =	vld [tilespmem:$0x670];
	v2 =	vadd.f32 v24, v63;
	v3 =	vmul.f32 v3, v5;
	v9 =	vadd.f32 v42, v41  }
0x95: {  	v48 =	vld [tilespmem:$0x570];
	v7 =	vmul.f32 v7, v38;
	v0 =	vadd.f32 v1, v0;
	v1 =	vsub.f32 v35, v36  }
0x96: {  	v52 =	vld [tilespmem:$0x770];
	v4 =	vmul.f32 v4, v8;
	v49 =	vadd.f32 v47, v46;
	v6 =	vadd.f32 v34, v32  }
0x97: {  	v54 =	vld [tilespmem:$0x870];
	v0 =	vadd.f32 v7, v0;
	v1 =	vmul.f32 v40, v1;
	v7 =	vadd.f32 v44, v43  }
0x98: {  	v53 =	vadd.f32 v45, v30;
	v3 =	vsub.f32 v3, v4;
	v2 =	vmul.f32 v49, v2  }
0x99: {  	v12 =	vmul.f32 v51, v6;
	v0 =	vadd.f32 v1, v0;
	v55 =	vmul.f32 v7, v9  }
0x9a: {  	v59 =	vmul.f32 v9, v51;
	v56 =	vmul.f32 v53, v3;
	v1 =	vadd.f32 v50, v48  }
0x9b: {  	v58 =	vmul.f32 v7, v6;
	v0 =	vadd.f32 v2, v0;
	v57 =	vadd.f32 v55, v12  }
0x9c: {  	v60 =	vadd.f32 v54, v52  }
0x9d: {  	v61 =	vsub.f32 v58, v59;
	v0 =	vadd.f32 v56, v0;
	v1 =	vmul.f32 v57, v1;
	_ =	sdelay $0x1  }
0x9e: {  	v62 =	vmul.f32 v60, v61;
	v0 =	vadd.f32 v1, v0;
	_ =	sdelay $0x1  }
0x9f: {  	v0 =	vadd.f32 v62, v0;
	_ =	sdelay $0x1  }
0xa0: {  	(xrf2) =	vadd.scan.msk.f32 $0xffff, v0;
	_ =	sdelay $0x9  }
0xa1: {  	v0, _, _ =	vpop (xrf2)  }
0xa2: {  	(v2sf) =	vpush v0, $0xF;
	_ =	sdelay $0xe  }
0xa3: {  	s30 =	spop (v2sf)  }
0xa4: {  	s4 =	smul.f32 $7.812500000e-03, s30;
	_ =	sdelay $0x1  }
0xa5: {  	v63 =	vmov s4  }
0xa6: {  	v0 =	vsub.f32 $0.0e+00, v63;
	_ =	sdelay $0x1  }
0xa7: {  	v0 =	vmul.f32 $1.442695020e+00, v0;
	_ =	sdelay $0x1  }
0xa8: {  	v0 =	vbroadcast v0, $0x0;
	_ =	sdelay $0x1  }
0xa9: {  	(erf) = vpow2.f32 v0;
	_ =	sdelay $0x8  }
0xaa: {  	v0 =	vpop (erf)  }
0xab: {  	v0 =	vadd.f32 $1.000000000e+00, v0;
	_ =	sdelay $0x1  }
0xac: {  	(erf) = vrcp.f32 v0;
	_ =	sdelay $0x8  }
0xad: {  	v0 =	vpop (erf)  }
0xae: {  	s31 =	simm.s32 $0x900;
	[tilespmem:$0x900] =	vst v0  }
0xaf: {  	[hbm4b:s1+s3] =	stream.linear.scatter [tilespmem:s31], [sflag:$0x2], $0x80, $0x38;
	[tilespmem:$0x980] =	vst v63  }
0xb0: {  	_ =	swait.ge [sflag:s19], $0x80  }
0xb1: {  	[sflag:s19] =	ssyncset.done $0x0  }
0xb2: {  	[sflag:s19] =	ssyncadd.s32 $0xFFFFFF80  }
.LBB2_2:
0xb3: {  	_ =	sfence.sel $0x180000  }
0xb4: {  	[bflag:$0x0] =	sbarrier.arrive $0xFFFF  }
0xb5: {  	_ =	strace $0x90000047  }
0xb6: {  	s0 =	sadd.s32 @!p0 $0x100000, s0;
	[bflag:$0x2] =	sbarrier.arrive $0xFFFF  }
0xb7: {  	[sflag:s0] =	ssyncadd.tile.s32 @!p0 $0x1;
	_ =	shalt  }
.Lfunc_end2:
_tile_overlayer_lowered:
.L_overlay_start_2:
0xb8: {  	(tag) =	ssettag $0x2  }
0xb9: {  	s0 =	rddreg [dreg:$0x0];
	s2 =	stileid.u32  }
0xba: {  	s1 =	rddreg [dreg:$0x1];
	p0 =	sne.s32 s2, $0x0  }
0xbb: {  	s3 =	rddreg [dreg:$0x2];
	[bflag:$0x3] =	sbarrier.arrive $0xFFFF;
	s2 =	simm.s32 @!p0 $0x1C02  }
0xbc: {  	[timem:s3], [sflag:s2] =	dma.local @!p0 [hbm:s0], s1  }
0xbd: {  	s0 =	simm.s32 @!p0 $0x2  }
0xbe: {  	_ =	swait.ge @!p0 [sflag:s0], s1  }
0xbf: {  	s1 =	ssub.s32 @!p0 $0x0, s1;
	[sflag:s0] =	ssyncset.done @!p0 $0x0  }
0xc0: {  	[sflag:s0] =	ssyncadd.s32 @!p0 s1  }
0xc1: {  	[bflag:$0x3] =	sbarrier.arrive $0xFFFF  }
0xc2: {  	_ =	shalt  }

</sc_bundles>
